<compile_context>
chip_gen: v7x
topology: tpu7x:2x2x1
jax: 0.10.2.dev20260603
libtpu: 0.0.44.dev20260713+nightly
codegen_flags: <defaults>
</compile_context>

<pallas_src>
import functools

import numpy as np

import jax
import jax.numpy as jnp
from jax import lax
from jax.experimental import pallas as pl
from jax.experimental.pallas import tpu as pltpu
from jax.experimental.pallas import tpu_sc as plsc

_N = 512
_OC = 256
_E = 32768
_NC = 2
_NS = 16
_EPW = _E // _NS
_CHUNK = 128
_NCHUNK = _EPW // _CHUNK
_PLANE = _N * _N
_STRIPE = _PLANE // _NS


def _sc_densify_body(idx_hbm, w_hbm, z_hbm, out_hbm,
                     wv, idx, shared, sem, ssem):
    c = lax.axis_index("c")
    s = lax.axis_index("s")

    @pl.when(c == 0)
    def _():
        chunk0 = pl.multiple_of(s * _NCHUNK, 8)
        stripe = pl.multiple_of(s * _STRIPE, 8)
        copies = [
            pltpu.async_copy(z_hbm, shared.at[pl.ds(stripe, _STRIPE)], sem),
            pltpu.async_copy(idx_hbm.at[pl.ds(chunk0, _NCHUNK), :], idx, sem),
            pltpu.async_copy(w_hbm.at[pl.ds(chunk0, _NCHUNK), :], wv, sem),
        ]
        for cp in copies:
            cp.wait()
        plsc.subcore_barrier()
        adds = [
            pltpu.async_copy(wv.at[j], shared.at[idx.at[j]], ssem, add=True)
            for j in range(_NCHUNK)
        ]
        for cp in adds:
            cp.wait()
        plsc.subcore_barrier()
        pltpu.sync_copy(shared.at[pl.ds(stripe, _STRIPE)], out_hbm.at[s])


def _sc_densify(idx_flat, w, zeros):
    mesh = plsc.VectorSubcoreMesh(core_axis_name="c", subcore_axis_name="s")
    f = functools.partial(
        pl.kernel,
        mesh=mesh,
        out_type=jax.ShapeDtypeStruct((_NS, _STRIPE), jnp.float32),
        scratch_types=[
            pltpu.VMEM((_NCHUNK, _CHUNK), jnp.float32),
            pltpu.VMEM((_NCHUNK, _CHUNK), jnp.int32),
            pltpu.VMEM_SHARED((_PLANE,), jnp.float32),
            pltpu.SemaphoreType.DMA,
            pltpu.SemaphoreType.DMA,
        ],
    )(_sc_densify_body)
    return f(idx_flat, w, zeros)


def _tc_body(adj_ref, x_ref, wz_hbm, wh_hbm, bz_ref, bh_ref, wlin_ref,
             blin_ref, out_ref, wz_ref, wh_ref, wsem):
    wz_cp = pltpu.make_async_copy(wz_hbm.at[:, :, :_N, :], wz_ref, wsem)
    wh_cp = pltpu.make_async_copy(wh_hbm.at[:, :, :_N, :], wh_ref, wsem)
    wz_cp.start()
    wh_cp.start()
    A = adj_ref[...]
    deg_out = jnp.sum(A, axis=1, keepdims=True)
    deg_in = jnp.sum(A, axis=0, keepdims=True)
    ro = jnp.where(deg_out > 0.0, 1.0 / deg_out, 0.0)
    ri = jnp.where(deg_in > 0.0, 1.0 / deg_in, 0.0)
    Mo = A * ro
    Mi = A * ri

    mm = lambda a, b: lax.dot_general(
        a, b, (((1,), (0,)), ((), ())),
        preferred_element_type=jnp.float32, precision=lax.Precision.DEFAULT)
    mmt = lambda a, b: lax.dot_general(
        a, b, (((1,), (1,)), ((), ())),
        preferred_element_type=jnp.float32, precision=lax.Precision.DEFAULT)
    mmT = lambda a, b: lax.dot_general(
        a, b, (((0,), (0,)), ((), ())),
        preferred_element_type=jnp.float32, precision=lax.Precision.DEFAULT)

    X = x_ref[...]
    t1o = mmT(Mo, X)
    t1i = mm(Mi, X)
    t2o = 2.0 * mmT(Mo, t1o) - X
    t2i = 2.0 * mm(Mi, t1i) - X
    wz_cp.wait()
    wh_cp.wait()
    def gate(w_ref, b_ref):
        return (mm(X, w_ref[0, 0] + w_ref[1, 0])
                + mm(t1o, w_ref[0, 1]) + mm(t1i, w_ref[1, 1])
                + mm(t2o, w_ref[0, 2]) + mm(t2i, w_ref[1, 2])
                + b_ref[...])
    Z = jax.nn.sigmoid(gate(wz_ref, bz_ref))
    Ht = jnp.tanh(gate(wh_ref, bh_ref))
    out = jnp.maximum((1.0 - Z) * Ht, 0.0)
    a_row = mmt(wlin_ref[:, :_OC], out)
    b_col = mmt(out, wlin_ref[:, _OC:])
    b4 = jnp.reshape(jnp.broadcast_to(b_col[:, None, :], (_N, 4, 1)),
                     (4 * _N, 1))
    a4 = jnp.broadcast_to(jnp.reshape(a_row, (4, _N // 4))[None],
                          (_N, 4, _N // 4)).reshape(4 * _N, _N // 4)
    out_ref[...] = b4 + a4 + blin_ref[...]


def kernel(x, edge_index, edge_weight, W_z, b_z, W_r, b_r, W_h, b_h,
           W_lin, b_lin):
    del W_r, b_r
    zeros = jnp.asarray(np.zeros((_STRIPE,), np.float32))
    ei = edge_index.astype(jnp.int32)
    idx_flat = (ei[0] * _N + ei[1]).reshape(_E // _CHUNK, _CHUNK)
    adj = _sc_densify(idx_flat, edge_weight.reshape(_E // _CHUNK, _CHUNK),
                      zeros).reshape(_N, _N)

    res = pl.pallas_call(
        _tc_body,
        out_shape=jax.ShapeDtypeStruct((4 * _N, _N // 4), jnp.float32),
        in_specs=[
            pl.BlockSpec(memory_space=pltpu.MemorySpace.HBM if i in (2, 3)
                         else pltpu.MemorySpace.VMEM)
            for i in range(8)
        ],
        scratch_shapes=[
            pltpu.VMEM((2, 3, _N, _OC), jnp.float32),
            pltpu.VMEM((2, 3, _N, _OC), jnp.float32),
            pltpu.SemaphoreType.DMA,
        ],
    )(adj, x, W_z, W_h, b_z.reshape(1, _OC), b_h.reshape(1, _OC),
      W_lin, b_lin.reshape(1, 1))
    return res.reshape(_N * _N, 1)

# --- scband reference (transcript-rebuilt; emitter-appended) ---
"""Pipeline reference for scband-dcrnnedge-predictor-44890998177831 (READ-ONLY COPY).

The authoritative reference and input builder live on the scoring server;
editing this copy changes nothing except your own understanding.
"""

import jax, jax.numpy as jnp
import numpy as np

N_NODES = 512
IN_CH = 512
OUT_CH = 256
K = 3
N_EDGES = 32768
CONV_IN = IN_CH + OUT_CH  # 768


def setup_inputs(seed: int = 0) -> dict:
    key = jax.random.key(seed)
    ks = jax.random.split(key, 12)
    x = jax.random.normal(ks[0], (N_NODES, IN_CH), dtype=jnp.float32)
    edge_index = jax.random.randint(ks[1], (2, N_EDGES), 0, N_NODES)
    edge_weight = jax.random.uniform(ks[2], (N_EDGES,), dtype=jnp.float32, minval=0.05, maxval=1.0)
    s = 1.0 / np.sqrt(CONV_IN)
    W_z = jax.random.normal(ks[3], (2, K, CONV_IN, OUT_CH), dtype=jnp.float32) * s
    b_z = jnp.zeros((OUT_CH,), dtype=jnp.float32)
    W_r = jax.random.normal(ks[4], (2, K, CONV_IN, OUT_CH), dtype=jnp.float32) * s
    b_r = jnp.zeros((OUT_CH,), dtype=jnp.float32)
    W_h = jax.random.normal(ks[5], (2, K, CONV_IN, OUT_CH), dtype=jnp.float32) * s
    b_h = jnp.zeros((OUT_CH,), dtype=jnp.float32)
    W_lin = jax.random.normal(ks[6], (1, 2 * OUT_CH), dtype=jnp.float32) * (1.0 / np.sqrt(2 * OUT_CH))
    b_lin = jnp.zeros((1,), dtype=jnp.float32)
    return {"x": x, "edge_index": edge_index, "edge_weight": edge_weight,
            "W_z": W_z, "b_z": b_z, "W_r": W_r, "b_r": b_r,
            "W_h": W_h, "b_h": b_h, "W_lin": W_lin, "b_lin": b_lin}


def _dconv(X, edge_index, edge_weight, W, b, n):
    # Diffusion convolution (DCRNN DConv): bidirectional random-walk normalized
    # adjacency with Chebyshev-style recurrence over K hops.
    row = edge_index[0]
    col = edge_index[1]
    deg_out = jax.ops.segment_sum(edge_weight, row, num_segments=n)
    deg_in = jax.ops.segment_sum(edge_weight, col, num_segments=n)
    norm_out = edge_weight * jnp.reciprocal(deg_out)[row]
    norm_in = edge_weight * jnp.reciprocal(deg_in)[col]

    def prop_out(h):
        return jax.ops.segment_sum(norm_out[:, None] * h[row], col, num_segments=n)

    def prop_in(h):
        return jax.ops.segment_sum(norm_in[:, None] * h[col], row, num_segments=n)

    Tx_0 = X
    H = jnp.matmul(Tx_0, W[0, 0]) + jnp.matmul(Tx_0, W[1, 0])
    Tx_1_o = prop_out(X)
    Tx_1_i = prop_in(X)
    H = H + jnp.matmul(Tx_1_o, W[0, 1]) + jnp.matmul(Tx_1_i, W[1, 1])
    for k in range(2, W.shape[1]):
        Tx_2_o = 2.0 * prop_out(Tx_1_o) - Tx_0
        Tx_2_i = 2.0 * prop_in(Tx_1_i) - Tx_0
        H = H + jnp.matmul(Tx_2_o, W[0, k]) + jnp.matmul(Tx_2_i, W[1, k])
        Tx_1_o = Tx_2_o
        Tx_1_i = Tx_2_i
    return H + b


def reference(x, edge_index, edge_weight, W_z, b_z, W_r, b_r, W_h, b_h, W_lin, b_lin):
    n = x.shape[0]
    H = jnp.zeros((n, W_z.shape[-1]), dtype=x.dtype)
    XH = jnp.concatenate([x, H], axis=1)
    Z = jax.nn.sigmoid(_dconv(XH, edge_index, edge_weight, W_z, b_z, n))
    R = jax.nn.sigmoid(_dconv(XH, edge_index, edge_weight, W_r, b_r, n))
    XHR = jnp.concatenate([x, H * R], axis=1)
    H_tilde = jnp.tanh(_dconv(XHR, edge_index, edge_weight, W_h, b_h, n))
    H_new = Z * H + (1.0 - Z) * H_tilde
    out = jax.nn.relu(H_new)
    # all-pairs edge representation: row (i*n + j) = [out[j], out[i]]
    left = jnp.tile(out, (n, 1))
    right = jnp.repeat(out, n, axis=0)
    stacked = jnp.concatenate([left, right], axis=1)
    return jnp.matmul(stacked, W_lin.T) + b_lin

if __name__ == "__main__":
    import jax
    _d = setup_inputs()
    print(jax.jit(kernel)(*tuple(_d.values())))

</pallas_src>

<mosaic_0001>
#map = affine_map<(d0, d1) -> (0, 0)>
#map1 = affine_map<(d0, d1) -> (0)>
module attributes {stable_mosaic.version = 14 : i64} {
  func.func @_sc_densify_body(%arg0: i32, %arg1: i32, %arg2: memref<256x128xi32, #tpu.memory_space<hbm>>, %arg3: memref<256x128xf32, #tpu.memory_space<hbm>>, %arg4: memref<16384xf32, #tpu.memory_space<hbm>>, %arg5: memref<16x16384xf32, #tpu.memory_space<hbm>>, %arg6: memref<16x128xf32, #tpu.memory_space<vmem>>, %arg7: memref<16x128xi32, #tpu.memory_space<vmem>>, %arg8: memref<262144xf32, #tpu.memory_space<vmem_shared>>, %arg9: memref<!tpu.dma_semaphore, #tpu.memory_space<semaphore_mem>>, %arg10: memref<!tpu.dma_semaphore, #tpu.memory_space<semaphore_mem>>) attributes {dimension_semantics = [#tpu.dimension_semantics<core_parallel>, #tpu.dimension_semantics<subcore_parallel>], iteration_bounds = array<i64: 2, 16>, scalar_prefetch = 0 : i64, scratch_operands = 5 : i64, tpu.core_type = #tpu.core_type<sc_vector_subcore>, window_params = [{transform_indices = #map}, {transform_indices = #map}, {transform_indices = #map1}, {transform_indices = #map}]} {
    %eq3A = arith.constant 0 : i32
    %eq3A_0 = arith.cmpi eq, %arg0, %eq3A : i32
    %convert_element_type3A = arith.extui %eq3A_0 : i1 to i32
    %cond3A = arith.constant 0 : i32
    %cond3A_1 = arith.cmpi ne, %convert_element_type3A, %cond3A : i32
    scf.if %cond3A_1 {
      %mul3A = arith.constant 16 : i32
      %mul3A_2 = arith.muli %arg1, %mul3A : i32
      %multiple_of3A = tpu.assume_multiple %mul3A_2, 8 : i32
      %mul3A_3 = arith.constant 16384 : i32
      %mul3A_4 = arith.muli %arg1, %mul3A_3 : i32
      %multiple_of3A_5 = tpu.assume_multiple %mul3A_4, 8 : i32
      %dma_start3A = tpu.memref_slice %arg8[%multiple_of3A_5] : memref<262144xf32, #tpu.memory_space<vmem_shared>> -> memref<16384xf32, #tpu.memory_space<vmem_shared>>
      tpu.enqueue_dma source(%arg4 : memref<16384xf32, #tpu.memory_space<hbm>>) target(%dma_start3A : memref<16384xf32, #tpu.memory_space<vmem_shared>>) target_semaphore(%arg9 : memref<!tpu.dma_semaphore, #tpu.memory_space<semaphore_mem>>)
      %dma_start3A_6 = arith.constant 0 : i32
      %dma_start3A_7 = tpu.memref_slice %arg2[%multiple_of3A, %dma_start3A_6] : memref<256x128xi32, #tpu.memory_space<hbm>> -> memref<16x128xi32, #tpu.memory_space<hbm>>
      %dma_start3A_8 = arith.constant 0 : i32
      %dma_start3A_9 = tpu.memref_slice %arg2[%multiple_of3A, %dma_start3A_8] : memref<256x128xi32, #tpu.memory_space<hbm>> -> memref<16x128xi32, #tpu.memory_space<hbm>>
      tpu.enqueue_dma source(%dma_start3A_9 : memref<16x128xi32, #tpu.memory_space<hbm>>) target(%arg7 : memref<16x128xi32, #tpu.memory_space<vmem>>) target_semaphore(%arg9 : memref<!tpu.dma_semaphore, #tpu.memory_space<semaphore_mem>>)
      %dma_start3A_10 = arith.constant 0 : i32
      %dma_start3A_11 = tpu.memref_slice %arg3[%multiple_of3A, %dma_start3A_10] : memref<256x128xf32, #tpu.memory_space<hbm>> -> memref<16x128xf32, #tpu.memory_space<hbm>>
      %dma_start3A_12 = arith.constant 0 : i32
      %dma_start3A_13 = tpu.memref_slice %arg3[%multiple_of3A, %dma_start3A_12] : memref<256x128xf32, #tpu.memory_space<hbm>> -> memref<16x128xf32, #tpu.memory_space<hbm>>
      tpu.enqueue_dma source(%dma_start3A_13 : memref<16x128xf32, #tpu.memory_space<hbm>>) target(%arg6 : memref<16x128xf32, #tpu.memory_space<vmem>>) target_semaphore(%arg9 : memref<!tpu.dma_semaphore, #tpu.memory_space<semaphore_mem>>)
      %dma_wait3A = tpu.memref_slice %arg8[%multiple_of3A_5] : memref<262144xf32, #tpu.memory_space<vmem_shared>> -> memref<16384xf32, #tpu.memory_space<vmem_shared>>
      tpu.wait_dma2 semaphore(%arg9 : memref<!tpu.dma_semaphore, #tpu.memory_space<semaphore_mem>>) src(%arg4 : memref<16384xf32, #tpu.memory_space<hbm>>) dst(%dma_wait3A : memref<16384xf32, #tpu.memory_space<vmem_shared>>)
      %dma_wait3A_14 = arith.constant 0 : i32
      %dma_wait3A_15 = tpu.memref_slice %arg2[%multiple_of3A, %dma_wait3A_14] : memref<256x128xi32, #tpu.memory_space<hbm>> -> memref<16x128xi32, #tpu.memory_space<hbm>>
      %dma_wait3A_16 = arith.constant 0 : i32
      %dma_wait3A_17 = tpu.memref_slice %arg2[%multiple_of3A, %dma_wait3A_16] : memref<256x128xi32, #tpu.memory_space<hbm>> -> memref<16x128xi32, #tpu.memory_space<hbm>>
      tpu.wait_dma2 semaphore(%arg9 : memref<!tpu.dma_semaphore, #tpu.memory_space<semaphore_mem>>) src(%dma_wait3A_17 : memref<16x128xi32, #tpu.memory_space<hbm>>) dst(%arg7 : memref<16x128xi32, #tpu.memory_space<vmem>>)
      %dma_wait3A_18 = arith.constant 0 : i32
      %dma_wait3A_19 = tpu.memref_slice %arg3[%multiple_of3A, %dma_wait3A_18] : memref<256x128xf32, #tpu.memory_space<hbm>> -> memref<16x128xf32, #tpu.memory_space<hbm>>
      %dma_wait3A_20 = arith.constant 0 : i32
      %dma_wait3A_21 = tpu.memref_slice %arg3[%multiple_of3A, %dma_wait3A_20] : memref<256x128xf32, #tpu.memory_space<hbm>> -> memref<16x128xf32, #tpu.memory_space<hbm>>
      tpu.wait_dma2 semaphore(%arg9 : memref<!tpu.dma_semaphore, #tpu.memory_space<semaphore_mem>>) src(%dma_wait3A_21 : memref<16x128xf32, #tpu.memory_space<hbm>>) dst(%arg6 : memref<16x128xf32, #tpu.memory_space<vmem>>)
      %barrier3A = arith.constant 0 : index
      tpu.barrier barrier_id(%barrier3A)
      %dma_start3A_22 = arith.constant 0 : i32
      %dma_start3A_23 = arith.constant 0 : i32
      %dma_start3A_24 = arith.constant 0 : i32
      %dma_start3A_25 = tpu.memref_slice %arg6[%dma_start3A_22, %dma_start3A_24] : memref<16x128xf32, #tpu.memory_space<vmem>> -> memref<1x128xf32, #tpu.memory_space<vmem>>
      %dma_start3A_26 = tpu.memref_squeeze %dma_start3A_25 : memref<1x128xf32, #tpu.memory_space<vmem>> -> memref<128xf32, #tpu.memory_space<vmem>>
      %dma_start3A_27 = arith.constant 0 : i32
      %dma_start3A_28 = tpu.memref_slice %arg7[%dma_start3A_23, %dma_start3A_27] : memref<16x128xi32, #tpu.memory_space<vmem>> -> memref<1x128xi32, #tpu.memory_space<vmem>>
      %dma_start3A_29 = tpu.memref_squeeze %dma_start3A_28 : memref<1x128xi32, #tpu.memory_space<vmem>> -> memref<128xi32, #tpu.memory_space<vmem>>
      %dma_start3A_30 = arith.constant 0 : i32
      %dma_start3A_31 = tpu.memref_slice %arg8[%dma_start3A_30] : memref<262144xf32, #tpu.memory_space<vmem_shared>> -> memref<262144xf32, #tpu.memory_space<vmem_shared>>
      tpu.enqueue_indirect_dma source(%dma_start3A_26 : memref<128xf32, #tpu.memory_space<vmem>>) target(%dma_start3A_31 : memref<262144xf32, #tpu.memory_space<vmem_shared>>) offsets(%dma_start3A_29 : memref<128xi32, #tpu.memory_space<vmem>>) semaphore(%arg10 : memref<!tpu.dma_semaphore, #tpu.memory_space<semaphore_mem>>) {add = true}
      %dma_start3A_32 = arith.constant 1 : i32
      %dma_start3A_33 = arith.constant 1 : i32
      %dma_start3A_34 = arith.constant 0 : i32
      %dma_start3A_35 = tpu.memref_slice %arg6[%dma_start3A_32, %dma_start3A_34] : memref<16x128xf32, #tpu.memory_space<vmem>> -> memref<1x128xf32, #tpu.memory_space<vmem>>
      %dma_start3A_36 = tpu.memref_squeeze %dma_start3A_35 : memref<1x128xf32, #tpu.memory_space<vmem>> -> memref<128xf32, #tpu.memory_space<vmem>>
      %dma_start3A_37 = arith.constant 0 : i32
      %dma_start3A_38 = tpu.memref_slice %arg7[%dma_start3A_33, %dma_start3A_37] : memref<16x128xi32, #tpu.memory_space<vmem>> -> memref<1x128xi32, #tpu.memory_space<vmem>>
      %dma_start3A_39 = tpu.memref_squeeze %dma_start3A_38 : memref<1x128xi32, #tpu.memory_space<vmem>> -> memref<128xi32, #tpu.memory_space<vmem>>
      %dma_start3A_40 = arith.constant 0 : i32
      %dma_start3A_41 = tpu.memref_slice %arg8[%dma_start3A_40] : memref<262144xf32, #tpu.memory_space<vmem_shared>> -> memref<262144xf32, #tpu.memory_space<vmem_shared>>
      tpu.enqueue_indirect_dma source(%dma_start3A_36 : memref<128xf32, #tpu.memory_space<vmem>>) target(%dma_start3A_41 : memref<262144xf32, #tpu.memory_space<vmem_shared>>) offsets(%dma_start3A_39 : memref<128xi32, #tpu.memory_space<vmem>>) semaphore(%arg10 : memref<!tpu.dma_semaphore, #tpu.memory_space<semaphore_mem>>) {add = true}
      %dma_start3A_42 = arith.constant 2 : i32
      %dma_start3A_43 = arith.constant 2 : i32
      %dma_start3A_44 = arith.constant 0 : i32
      %dma_start3A_45 = tpu.memref_slice %arg6[%dma_start3A_42, %dma_start3A_44] : memref<16x128xf32, #tpu.memory_space<vmem>> -> memref<1x128xf32, #tpu.memory_space<vmem>>
      %dma_start3A_46 = tpu.memref_squeeze %dma_start3A_45 : memref<1x128xf32, #tpu.memory_space<vmem>> -> memref<128xf32, #tpu.memory_space<vmem>>
      %dma_start3A_47 = arith.constant 0 : i32
      %dma_start3A_48 = tpu.memref_slice %arg7[%dma_start3A_43, %dma_start3A_47] : memref<16x128xi32, #tpu.memory_space<vmem>> -> memref<1x128xi32, #tpu.memory_space<vmem>>
      %dma_start3A_49 = tpu.memref_squeeze %dma_start3A_48 : memref<1x128xi32, #tpu.memory_space<vmem>> -> memref<128xi32, #tpu.memory_space<vmem>>
      %dma_start3A_50 = arith.constant 0 : i32
      %dma_start3A_51 = tpu.memref_slice %arg8[%dma_start3A_50] : memref<262144xf32, #tpu.memory_space<vmem_shared>> -> memref<262144xf32, #tpu.memory_space<vmem_shared>>
      tpu.enqueue_indirect_dma source(%dma_start3A_46 : memref<128xf32, #tpu.memory_space<vmem>>) target(%dma_start3A_51 : memref<262144xf32, #tpu.memory_space<vmem_shared>>) offsets(%dma_start3A_49 : memref<128xi32, #tpu.memory_space<vmem>>) semaphore(%arg10 : memref<!tpu.dma_semaphore, #tpu.memory_space<semaphore_mem>>) {add = true}
      %dma_start3A_52 = arith.constant 3 : i32
      %dma_start3A_53 = arith.constant 3 : i32
      %dma_start3A_54 = arith.constant 0 : i32
      %dma_start3A_55 = tpu.memref_slice %arg6[%dma_start3A_52, %dma_start3A_54] : memref<16x128xf32, #tpu.memory_space<vmem>> -> memref<1x128xf32, #tpu.memory_space<vmem>>
      %dma_start3A_56 = tpu.memref_squeeze %dma_start3A_55 : memref<1x128xf32, #tpu.memory_space<vmem>> -> memref<128xf32, #tpu.memory_space<vmem>>
      %dma_start3A_57 = arith.constant 0 : i32
      %dma_start3A_58 = tpu.memref_slice %arg7[%dma_start3A_53, %dma_start3A_57] : memref<16x128xi32, #tpu.memory_space<vmem>> -> memref<1x128xi32, #tpu.memory_space<vmem>>
      %dma_start3A_59 = tpu.memref_squeeze %dma_start3A_58 : memref<1x128xi32, #tpu.memory_space<vmem>> -> memref<128xi32, #tpu.memory_space<vmem>>
      %dma_start3A_60 = arith.constant 0 : i32
      %dma_start3A_61 = tpu.memref_slice %arg8[%dma_start3A_60] : memref<262144xf32, #tpu.memory_space<vmem_shared>> -> memref<262144xf32, #tpu.memory_space<vmem_shared>>
      tpu.enqueue_indirect_dma source(%dma_start3A_56 : memref<128xf32, #tpu.memory_space<vmem>>) target(%dma_start3A_61 : memref<262144xf32, #tpu.memory_space<vmem_shared>>) offsets(%dma_start3A_59 : memref<128xi32, #tpu.memory_space<vmem>>) semaphore(%arg10 : memref<!tpu.dma_semaphore, #tpu.memory_space<semaphore_mem>>) {add = true}
      %dma_start3A_62 = arith.constant 4 : i32
      %dma_start3A_63 = arith.constant 4 : i32
      %dma_start3A_64 = arith.constant 0 : i32
      %dma_start3A_65 = tpu.memref_slice %arg6[%dma_start3A_62, %dma_start3A_64] : memref<16x128xf32, #tpu.memory_space<vmem>> -> memref<1x128xf32, #tpu.memory_space<vmem>>
      %dma_start3A_66 = tpu.memref_squeeze %dma_start3A_65 : memref<1x128xf32, #tpu.memory_space<vmem>> -> memref<128xf32, #tpu.memory_space<vmem>>
      %dma_start3A_67 = arith.constant 0 : i32
      %dma_start3A_68 = tpu.memref_slice %arg7[%dma_start3A_63, %dma_start3A_67] : memref<16x128xi32, #tpu.memory_space<vmem>> -> memref<1x128xi32, #tpu.memory_space<vmem>>
      %dma_start3A_69 = tpu.memref_squeeze %dma_start3A_68 : memref<1x128xi32, #tpu.memory_space<vmem>> -> memref<128xi32, #tpu.memory_space<vmem>>
      %dma_start3A_70 = arith.constant 0 : i32
      %dma_start3A_71 = tpu.memref_slice %arg8[%dma_start3A_70] : memref<262144xf32, #tpu.memory_space<vmem_shared>> -> memref<262144xf32, #tpu.memory_space<vmem_shared>>
      tpu.enqueue_indirect_dma source(%dma_start3A_66 : memref<128xf32, #tpu.memory_space<vmem>>) target(%dma_start3A_71 : memref<262144xf32, #tpu.memory_space<vmem_shared>>) offsets(%dma_start3A_69 : memref<128xi32, #tpu.memory_space<vmem>>) semaphore(%arg10 : memref<!tpu.dma_semaphore, #tpu.memory_space<semaphore_mem>>) {add = true}
      %dma_start3A_72 = arith.constant 5 : i32
      %dma_start3A_73 = arith.constant 5 : i32
      %dma_start3A_74 = arith.constant 0 : i32
      %dma_start3A_75 = tpu.memref_slice %arg6[%dma_start3A_72, %dma_start3A_74] : memref<16x128xf32, #tpu.memory_space<vmem>> -> memref<1x128xf32, #tpu.memory_space<vmem>>
      %dma_start3A_76 = tpu.memref_squeeze %dma_start3A_75 : memref<1x128xf32, #tpu.memory_space<vmem>> -> memref<128xf32, #tpu.memory_space<vmem>>
      %dma_start3A_77 = arith.constant 0 : i32
      %dma_start3A_78 = tpu.memref_slice %arg7[%dma_start3A_73, %dma_start3A_77] : memref<16x128xi32, #tpu.memory_space<vmem>> -> memref<1x128xi32, #tpu.memory_space<vmem>>
      %dma_start3A_79 = tpu.memref_squeeze %dma_start3A_78 : memref<1x128xi32, #tpu.memory_space<vmem>> -> memref<128xi32, #tpu.memory_space<vmem>>
      %dma_start3A_80 = arith.constant 0 : i32
      %dma_start3A_81 = tpu.memref_slice %arg8[%dma_start3A_80] : memref<262144xf32, #tpu.memory_space<vmem_shared>> -> memref<262144xf32, #tpu.memory_space<vmem_shared>>
      tpu.enqueue_indirect_dma source(%dma_start3A_76 : memref<128xf32, #tpu.memory_space<vmem>>) target(%dma_start3A_81 : memref<262144xf32, #tpu.memory_space<vmem_shared>>) offsets(%dma_start3A_79 : memref<128xi32, #tpu.memory_space<vmem>>) semaphore(%arg10 : memref<!tpu.dma_semaphore, #tpu.memory_space<semaphore_mem>>) {add = true}
      %dma_start3A_82 = arith.constant 6 : i32
      %dma_start3A_83 = arith.constant 6 : i32
      %dma_start3A_84 = arith.constant 0 : i32
      %dma_start3A_85 = tpu.memref_slice %arg6[%dma_start3A_82, %dma_start3A_84] : memref<16x128xf32, #tpu.memory_space<vmem>> -> memref<1x128xf32, #tpu.memory_space<vmem>>
      %dma_start3A_86 = tpu.memref_squeeze %dma_start3A_85 : memref<1x128xf32, #tpu.memory_space<vmem>> -> memref<128xf32, #tpu.memory_space<vmem>>
      %dma_start3A_87 = arith.constant 0 : i32
      %dma_start3A_88 = tpu.memref_slice %arg7[%dma_start3A_83, %dma_start3A_87] : memref<16x128xi32, #tpu.memory_space<vmem>> -> memref<1x128xi32, #tpu.memory_space<vmem>>
      %dma_start3A_89 = tpu.memref_squeeze %dma_start3A_88 : memref<1x128xi32, #tpu.memory_space<vmem>> -> memref<128xi32, #tpu.memory_space<vmem>>
      %dma_start3A_90 = arith.constant 0 : i32
      %dma_start3A_91 = tpu.memref_slice %arg8[%dma_start3A_90] : memref<262144xf32, #tpu.memory_space<vmem_shared>> -> memref<262144xf32, #tpu.memory_space<vmem_shared>>
      tpu.enqueue_indirect_dma source(%dma_start3A_86 : memref<128xf32, #tpu.memory_space<vmem>>) target(%dma_start3A_91 : memref<262144xf32, #tpu.memory_space<vmem_shared>>) offsets(%dma_start3A_89 : memref<128xi32, #tpu.memory_space<vmem>>) semaphore(%arg10 : memref<!tpu.dma_semaphore, #tpu.memory_space<semaphore_mem>>) {add = true}
      %dma_start3A_92 = arith.constant 7 : i32
      %dma_start3A_93 = arith.constant 7 : i32
      %dma_start3A_94 = arith.constant 0 : i32
      %dma_start3A_95 = tpu.memref_slice %arg6[%dma_start3A_92, %dma_start3A_94] : memref<16x128xf32, #tpu.memory_space<vmem>> -> memref<1x128xf32, #tpu.memory_space<vmem>>
      %dma_start3A_96 = tpu.memref_squeeze %dma_start3A_95 : memref<1x128xf32, #tpu.memory_space<vmem>> -> memref<128xf32, #tpu.memory_space<vmem>>
      %dma_start3A_97 = arith.constant 0 : i32
      %dma_start3A_98 = tpu.memref_slice %arg7[%dma_start3A_93, %dma_start3A_97] : memref<16x128xi32, #tpu.memory_space<vmem>> -> memref<1x128xi32, #tpu.memory_space<vmem>>
      %dma_start3A_99 = tpu.memref_squeeze %dma_start3A_98 : memref<1x128xi32, #tpu.memory_space<vmem>> -> memref<128xi32, #tpu.memory_space<vmem>>
      %dma_start3A_100 = arith.constant 0 : i32
      %dma_start3A_101 = tpu.memref_slice %arg8[%dma_start3A_100] : memref<262144xf32, #tpu.memory_space<vmem_shared>> -> memref<262144xf32, #tpu.memory_space<vmem_shared>>
      tpu.enqueue_indirect_dma source(%dma_start3A_96 : memref<128xf32, #tpu.memory_space<vmem>>) target(%dma_start3A_101 : memref<262144xf32, #tpu.memory_space<vmem_shared>>) offsets(%dma_start3A_99 : memref<128xi32, #tpu.memory_space<vmem>>) semaphore(%arg10 : memref<!tpu.dma_semaphore, #tpu.memory_space<semaphore_mem>>) {add = true}
      %dma_start3A_102 = arith.constant 8 : i32
      %dma_start3A_103 = arith.constant 8 : i32
      %dma_start3A_104 = arith.constant 0 : i32
      %dma_start3A_105 = tpu.memref_slice %arg6[%dma_start3A_102, %dma_start3A_104] : memref<16x128xf32, #tpu.memory_space<vmem>> -> memref<1x128xf32, #tpu.memory_space<vmem>>
      %dma_start3A_106 = tpu.memref_squeeze %dma_start3A_105 : memref<1x128xf32, #tpu.memory_space<vmem>> -> memref<128xf32, #tpu.memory_space<vmem>>
      %dma_start3A_107 = arith.constant 0 : i32
      %dma_start3A_108 = tpu.memref_slice %arg7[%dma_start3A_103, %dma_start3A_107] : memref<16x128xi32, #tpu.memory_space<vmem>> -> memref<1x128xi32, #tpu.memory_space<vmem>>
      %dma_start3A_109 = tpu.memref_squeeze %dma_start3A_108 : memref<1x128xi32, #tpu.memory_space<vmem>> -> memref<128xi32, #tpu.memory_space<vmem>>
      %dma_start3A_110 = arith.constant 0 : i32
      %dma_start3A_111 = tpu.memref_slice %arg8[%dma_start3A_110] : memref<262144xf32, #tpu.memory_space<vmem_shared>> -> memref<262144xf32, #tpu.memory_space<vmem_shared>>
      tpu.enqueue_indirect_dma source(%dma_start3A_106 : memref<128xf32, #tpu.memory_space<vmem>>) target(%dma_start3A_111 : memref<262144xf32, #tpu.memory_space<vmem_shared>>) offsets(%dma_start3A_109 : memref<128xi32, #tpu.memory_space<vmem>>) semaphore(%arg10 : memref<!tpu.dma_semaphore, #tpu.memory_space<semaphore_mem>>) {add = true}
      %dma_start3A_112 = arith.constant 9 : i32
      %dma_start3A_113 = arith.constant 9 : i32
      %dma_start3A_114 = arith.constant 0 : i32
      %dma_start3A_115 = tpu.memref_slice %arg6[%dma_start3A_112, %dma_start3A_114] : memref<16x128xf32, #tpu.memory_space<vmem>> -> memref<1x128xf32, #tpu.memory_space<vmem>>
      %dma_start3A_116 = tpu.memref_squeeze %dma_start3A_115 : memref<1x128xf32, #tpu.memory_space<vmem>> -> memref<128xf32, #tpu.memory_space<vmem>>
      %dma_start3A_117 = arith.constant 0 : i32
      %dma_start3A_118 = tpu.memref_slice %arg7[%dma_start3A_113, %dma_start3A_117] : memref<16x128xi32, #tpu.memory_space<vmem>> -> memref<1x128xi32, #tpu.memory_space<vmem>>
      %dma_start3A_119 = tpu.memref_squeeze %dma_start3A_118 : memref<1x128xi32, #tpu.memory_space<vmem>> -> memref<128xi32, #tpu.memory_space<vmem>>
      %dma_start3A_120 = arith.constant 0 : i32
      %dma_start3A_121 = tpu.memref_slice %arg8[%dma_start3A_120] : memref<262144xf32, #tpu.memory_space<vmem_shared>> -> memref<262144xf32, #tpu.memory_space<vmem_shared>>
      tpu.enqueue_indirect_dma source(%dma_start3A_116 : memref<128xf32, #tpu.memory_space<vmem>>) target(%dma_start3A_121 : memref<262144xf32, #tpu.memory_space<vmem_shared>>) offsets(%dma_start3A_119 : memref<128xi32, #tpu.memory_space<vmem>>) semaphore(%arg10 : memref<!tpu.dma_semaphore, #tpu.memory_space<semaphore_mem>>) {add = true}
      %dma_start3A_122 = arith.constant 10 : i32
      %dma_start3A_123 = arith.constant 10 : i32
      %dma_start3A_124 = arith.constant 0 : i32
      %dma_start3A_125 = tpu.memref_slice %arg6[%dma_start3A_122, %dma_start3A_124] : memref<16x128xf32, #tpu.memory_space<vmem>> -> memref<1x128xf32, #tpu.memory_space<vmem>>
      %dma_start3A_126 = tpu.memref_squeeze %dma_start3A_125 : memref<1x128xf32, #tpu.memory_space<vmem>> -> memref<128xf32, #tpu.memory_space<vmem>>
      %dma_start3A_127 = arith.constant 0 : i32
      %dma_start3A_128 = tpu.memref_slice %arg7[%dma_start3A_123, %dma_start3A_127] : memref<16x128xi32, #tpu.memory_space<vmem>> -> memref<1x128xi32, #tpu.memory_space<vmem>>
      %dma_start3A_129 = tpu.memref_squeeze %dma_start3A_128 : memref<1x128xi32, #tpu.memory_space<vmem>> -> memref<128xi32, #tpu.memory_space<vmem>>
      %dma_start3A_130 = arith.constant 0 : i32
      %dma_start3A_131 = tpu.memref_slice %arg8[%dma_start3A_130] : memref<262144xf32, #tpu.memory_space<vmem_shared>> -> memref<262144xf32, #tpu.memory_space<vmem_shared>>
      tpu.enqueue_indirect_dma source(%dma_start3A_126 : memref<128xf32, #tpu.memory_space<vmem>>) target(%dma_start3A_131 : memref<262144xf32, #tpu.memory_space<vmem_shared>>) offsets(%dma_start3A_129 : memref<128xi32, #tpu.memory_space<vmem>>) semaphore(%arg10 : memref<!tpu.dma_semaphore, #tpu.memory_space<semaphore_mem>>) {add = true}
      %dma_start3A_132 = arith.constant 11 : i32
      %dma_start3A_133 = arith.constant 11 : i32
      %dma_start3A_134 = arith.constant 0 : i32
      %dma_start3A_135 = tpu.memref_slice %arg6[%dma_start3A_132, %dma_start3A_134] : memref<16x128xf32, #tpu.memory_space<vmem>> -> memref<1x128xf32, #tpu.memory_space<vmem>>
      %dma_start3A_136 = tpu.memref_squeeze %dma_start3A_135 : memref<1x128xf32, #tpu.memory_space<vmem>> -> memref<128xf32, #tpu.memory_space<vmem>>
      %dma_start3A_137 = arith.constant 0 : i32
      %dma_start3A_138 = tpu.memref_slice %arg7[%dma_start3A_133, %dma_start3A_137] : memref<16x128xi32, #tpu.memory_space<vmem>> -> memref<1x128xi32, #tpu.memory_space<vmem>>
      %dma_start3A_139 = tpu.memref_squeeze %dma_start3A_138 : memref<1x128xi32, #tpu.memory_space<vmem>> -> memref<128xi32, #tpu.memory_space<vmem>>
      %dma_start3A_140 = arith.constant 0 : i32
      %dma_start3A_141 = tpu.memref_slice %arg8[%dma_start3A_140] : memref<262144xf32, #tpu.memory_space<vmem_shared>> -> memref<262144xf32, #tpu.memory_space<vmem_shared>>
      tpu.enqueue_indirect_dma source(%dma_start3A_136 : memref<128xf32, #tpu.memory_space<vmem>>) target(%dma_start3A_141 : memref<262144xf32, #tpu.memory_space<vmem_shared>>) offsets(%dma_start3A_139 : memref<128xi32, #tpu.memory_space<vmem>>) semaphore(%arg10 : memref<!tpu.dma_semaphore, #tpu.memory_space<semaphore_mem>>) {add = true}
      %dma_start3A_142 = arith.constant 12 : i32
      %dma_start3A_143 = arith.constant 12 : i32
      %dma_start3A_144 = arith.constant 0 : i32
      %dma_start3A_145 = tpu.memref_slice %arg6[%dma_start3A_142, %dma_start3A_144] : memref<16x128xf32, #tpu.memory_space<vmem>> -> memref<1x128xf32, #tpu.memory_space<vmem>>
      %dma_start3A_146 = tpu.memref_squeeze %dma_start3A_145 : memref<1x128xf32, #tpu.memory_space<vmem>> -> memref<128xf32, #tpu.memory_space<vmem>>
      %dma_start3A_147 = arith.constant 0 : i32
      %dma_start3A_148 = tpu.memref_slice %arg7[%dma_start3A_143, %dma_start3A_147] : memref<16x128xi32, #tpu.memory_space<vmem>> -> memref<1x128xi32, #tpu.memory_space<vmem>>
      %dma_start3A_149 = tpu.memref_squeeze %dma_start3A_148 : memref<1x128xi32, #tpu.memory_space<vmem>> -> memref<128xi32, #tpu.memory_space<vmem>>
      %dma_start3A_150 = arith.constant 0 : i32
      %dma_start3A_151 = tpu.memref_slice %arg8[%dma_start3A_150] : memref<262144xf32, #tpu.memory_space<vmem_shared>> -> memref<262144xf32, #tpu.memory_space<vmem_shared>>
      tpu.enqueue_indirect_dma source(%dma_start3A_146 : memref<128xf32, #tpu.memory_space<vmem>>) target(%dma_start3A_151 : memref<262144xf32, #tpu.memory_space<vmem_shared>>) offsets(%dma_start3A_149 : memref<128xi32, #tpu.memory_space<vmem>>) semaphore(%arg10 : memref<!tpu.dma_semaphore, #tpu.memory_space<semaphore_mem>>) {add = true}
      %dma_start3A_152 = arith.constant 13 : i32
      %dma_start3A_153 = arith.constant 13 : i32
      %dma_start3A_154 = arith.constant 0 : i32
      %dma_start3A_155 = tpu.memref_slice %arg6[%dma_start3A_152, %dma_start3A_154] : memref<16x128xf32, #tpu.memory_space<vmem>> -> memref<1x128xf32, #tpu.memory_space<vmem>>
      %dma_start3A_156 = tpu.memref_squeeze %dma_start3A_155 : memref<1x128xf32, #tpu.memory_space<vmem>> -> memref<128xf32, #tpu.memory_space<vmem>>
      %dma_start3A_157 = arith.constant 0 : i32
      %dma_start3A_158 = tpu.memref_slice %arg7[%dma_start3A_153, %dma_start3A_157] : memref<16x128xi32, #tpu.memory_space<vmem>> -> memref<1x128xi32, #tpu.memory_space<vmem>>
      %dma_start3A_159 = tpu.memref_squeeze %dma_start3A_158 : memref<1x128xi32, #tpu.memory_space<vmem>> -> memref<128xi32, #tpu.memory_space<vmem>>
      %dma_start3A_160 = arith.constant 0 : i32
      %dma_start3A_161 = tpu.memref_slice %arg8[%dma_start3A_160] : memref<262144xf32, #tpu.memory_space<vmem_shared>> -> memref<262144xf32, #tpu.memory_space<vmem_shared>>
      tpu.enqueue_indirect_dma source(%dma_start3A_156 : memref<128xf32, #tpu.memory_space<vmem>>) target(%dma_start3A_161 : memref<262144xf32, #tpu.memory_space<vmem_shared>>) offsets(%dma_start3A_159 : memref<128xi32, #tpu.memory_space<vmem>>) semaphore(%arg10 : memref<!tpu.dma_semaphore, #tpu.memory_space<semaphore_mem>>) {add = true}
      %dma_start3A_162 = arith.constant 14 : i32
      %dma_start3A_163 = arith.constant 14 : i32
      %dma_start3A_164 = arith.constant 0 : i32
      %dma_start3A_165 = tpu.memref_slice %arg6[%dma_start3A_162, %dma_start3A_164] : memref<16x128xf32, #tpu.memory_space<vmem>> -> memref<1x128xf32, #tpu.memory_space<vmem>>
      %dma_start3A_166 = tpu.memref_squeeze %dma_start3A_165 : memref<1x128xf32, #tpu.memory_space<vmem>> -> memref<128xf32, #tpu.memory_space<vmem>>
      %dma_start3A_167 = arith.constant 0 : i32
      %dma_start3A_168 = tpu.memref_slice %arg7[%dma_start3A_163, %dma_start3A_167] : memref<16x128xi32, #tpu.memory_space<vmem>> -> memref<1x128xi32, #tpu.memory_space<vmem>>
      %dma_start3A_169 = tpu.memref_squeeze %dma_start3A_168 : memref<1x128xi32, #tpu.memory_space<vmem>> -> memref<128xi32, #tpu.memory_space<vmem>>
      %dma_start3A_170 = arith.constant 0 : i32
      %dma_start3A_171 = tpu.memref_slice %arg8[%dma_start3A_170] : memref<262144xf32, #tpu.memory_space<vmem_shared>> -> memref<262144xf32, #tpu.memory_space<vmem_shared>>
      tpu.enqueue_indirect_dma source(%dma_start3A_166 : memref<128xf32, #tpu.memory_space<vmem>>) target(%dma_start3A_171 : memref<262144xf32, #tpu.memory_space<vmem_shared>>) offsets(%dma_start3A_169 : memref<128xi32, #tpu.memory_space<vmem>>) semaphore(%arg10 : memref<!tpu.dma_semaphore, #tpu.memory_space<semaphore_mem>>) {add = true}
      %dma_start3A_172 = arith.constant 15 : i32
      %dma_start3A_173 = arith.constant 15 : i32
      %dma_start3A_174 = arith.constant 0 : i32
      %dma_start3A_175 = tpu.memref_slice %arg6[%dma_start3A_172, %dma_start3A_174] : memref<16x128xf32, #tpu.memory_space<vmem>> -> memref<1x128xf32, #tpu.memory_space<vmem>>
      %dma_start3A_176 = tpu.memref_squeeze %dma_start3A_175 : memref<1x128xf32, #tpu.memory_space<vmem>> -> memref<128xf32, #tpu.memory_space<vmem>>
      %dma_start3A_177 = arith.constant 0 : i32
      %dma_start3A_178 = tpu.memref_slice %arg7[%dma_start3A_173, %dma_start3A_177] : memref<16x128xi32, #tpu.memory_space<vmem>> -> memref<1x128xi32, #tpu.memory_space<vmem>>
      %dma_start3A_179 = tpu.memref_squeeze %dma_start3A_178 : memref<1x128xi32, #tpu.memory_space<vmem>> -> memref<128xi32, #tpu.memory_space<vmem>>
      %dma_start3A_180 = arith.constant 0 : i32
      %dma_start3A_181 = tpu.memref_slice %arg8[%dma_start3A_180] : memref<262144xf32, #tpu.memory_space<vmem_shared>> -> memref<262144xf32, #tpu.memory_space<vmem_shared>>
      tpu.enqueue_indirect_dma source(%dma_start3A_176 : memref<128xf32, #tpu.memory_space<vmem>>) target(%dma_start3A_181 : memref<262144xf32, #tpu.memory_space<vmem_shared>>) offsets(%dma_start3A_179 : memref<128xi32, #tpu.memory_space<vmem>>) semaphore(%arg10 : memref<!tpu.dma_semaphore, #tpu.memory_space<semaphore_mem>>) {add = true}
      %dma_wait3A_182 = arith.constant 0 : i32
      %dma_wait3A_183 = arith.constant 0 : i32
      %dma_wait3A_184 = arith.constant 0 : i32
      %dma_wait3A_185 = tpu.memref_slice %arg6[%dma_wait3A_182, %dma_wait3A_184] : memref<16x128xf32, #tpu.memory_space<vmem>> -> memref<1x128xf32, #tpu.memory_space<vmem>>
      %dma_wait3A_186 = tpu.memref_squeeze %dma_wait3A_185 : memref<1x128xf32, #tpu.memory_space<vmem>> -> memref<128xf32, #tpu.memory_space<vmem>>
      %dma_wait3A_187 = arith.constant 0 : i32
      %dma_wait3A_188 = tpu.memref_slice %arg7[%dma_wait3A_183, %dma_wait3A_187] : memref<16x128xi32, #tpu.memory_space<vmem>> -> memref<1x128xi32, #tpu.memory_space<vmem>>
      %dma_wait3A_189 = tpu.memref_squeeze %dma_wait3A_188 : memref<1x128xi32, #tpu.memory_space<vmem>> -> memref<128xi32, #tpu.memory_space<vmem>>
      %dma_wait3A_190 = arith.constant 0 : i32
      %dma_wait3A_191 = tpu.memref_slice %arg8[%dma_wait3A_190] : memref<262144xf32, #tpu.memory_space<vmem_shared>> -> memref<262144xf32, #tpu.memory_space<vmem_shared>>
      tpu.wait_indirect_dma semaphore(%arg10 : memref<!tpu.dma_semaphore, #tpu.memory_space<semaphore_mem>>) src(%dma_wait3A_186 : memref<128xf32, #tpu.memory_space<vmem>>) dst(%dma_wait3A_191 : memref<262144xf32, #tpu.memory_space<vmem_shared>>)
      %dma_wait3A_192 = arith.constant 1 : i32
      %dma_wait3A_193 = arith.constant 1 : i32
      %dma_wait3A_194 = arith.constant 0 : i32
      %dma_wait3A_195 = tpu.memref_slice %arg6[%dma_wait3A_192, %dma_wait3A_194] : memref<16x128xf32, #tpu.memory_space<vmem>> -> memref<1x128xf32, #tpu.memory_space<vmem>>
      %dma_wait3A_196 = tpu.memref_squeeze %dma_wait3A_195 : memref<1x128xf32, #tpu.memory_space<vmem>> -> memref<128xf32, #tpu.memory_space<vmem>>
      %dma_wait3A_197 = arith.constant 0 : i32
      %dma_wait3A_198 = tpu.memref_slice %arg7[%dma_wait3A_193, %dma_wait3A_197] : memref<16x128xi32, #tpu.memory_space<vmem>> -> memref<1x128xi32, #tpu.memory_space<vmem>>
      %dma_wait3A_199 = tpu.memref_squeeze %dma_wait3A_198 : memref<1x128xi32, #tpu.memory_space<vmem>> -> memref<128xi32, #tpu.memory_space<vmem>>
      %dma_wait3A_200 = arith.constant 0 : i32
      %dma_wait3A_201 = tpu.memref_slice %arg8[%dma_wait3A_200] : memref<262144xf32, #tpu.memory_space<vmem_shared>> -> memref<262144xf32, #tpu.memory_space<vmem_shared>>
      tpu.wait_indirect_dma semaphore(%arg10 : memref<!tpu.dma_semaphore, #tpu.memory_space<semaphore_mem>>) src(%dma_wait3A_196 : memref<128xf32, #tpu.memory_space<vmem>>) dst(%dma_wait3A_201 : memref<262144xf32, #tpu.memory_space<vmem_shared>>)
      %dma_wait3A_202 = arith.constant 2 : i32
      %dma_wait3A_203 = arith.constant 2 : i32
      %dma_wait3A_204 = arith.constant 0 : i32
      %dma_wait3A_205 = tpu.memref_slice %arg6[%dma_wait3A_202, %dma_wait3A_204] : memref<16x128xf32, #tpu.memory_space<vmem>> -> memref<1x128xf32, #tpu.memory_space<vmem>>
      %dma_wait3A_206 = tpu.memref_squeeze %dma_wait3A_205 : memref<1x128xf32, #tpu.memory_space<vmem>> -> memref<128xf32, #tpu.memory_space<vmem>>
      %dma_wait3A_207 = arith.constant 0 : i32
      %dma_wait3A_208 = tpu.memref_slice %arg7[%dma_wait3A_203, %dma_wait3A_207] : memref<16x128xi32, #tpu.memory_space<vmem>> -> memref<1x128xi32, #tpu.memory_space<vmem>>
      %dma_wait3A_209 = tpu.memref_squeeze %dma_wait3A_208 : memref<1x128xi32, #tpu.memory_space<vmem>> -> memref<128xi32, #tpu.memory_space<vmem>>
      %dma_wait3A_210 = arith.constant 0 : i32
      %dma_wait3A_211 = tpu.memref_slice %arg8[%dma_wait3A_210] : memref<262144xf32, #tpu.memory_space<vmem_shared>> -> memref<262144xf32, #tpu.memory_space<vmem_shared>>
      tpu.wait_indirect_dma semaphore(%arg10 : memref<!tpu.dma_semaphore, #tpu.memory_space<semaphore_mem>>) src(%dma_wait3A_206 : memref<128xf32, #tpu.memory_space<vmem>>) dst(%dma_wait3A_211 : memref<262144xf32, #tpu.memory_space<vmem_shared>>)
      %dma_wait3A_212 = arith.constant 3 : i32
      %dma_wait3A_213 = arith.constant 3 : i32
      %dma_wait3A_214 = arith.constant 0 : i32
      %dma_wait3A_215 = tpu.memref_slice %arg6[%dma_wait3A_212, %dma_wait3A_214] : memref<16x128xf32, #tpu.memory_space<vmem>> -> memref<1x128xf32, #tpu.memory_space<vmem>>
      %dma_wait3A_216 = tpu.memref_squeeze %dma_wait3A_215 : memref<1x128xf32, #tpu.memory_space<vmem>> -> memref<128xf32, #tpu.memory_space<vmem>>
      %dma_wait3A_217 = arith.constant 0 : i32
      %dma_wait3A_218 = tpu.memref_slice %arg7[%dma_wait3A_213, %dma_wait3A_217] : memref<16x128xi32, #tpu.memory_space<vmem>> -> memref<1x128xi32, #tpu.memory_space<vmem>>
      %dma_wait3A_219 = tpu.memref_squeeze %dma_wait3A_218 : memref<1x128xi32, #tpu.memory_space<vmem>> -> memref<128xi32, #tpu.memory_space<vmem>>
      %dma_wait3A_220 = arith.constant 0 : i32
      %dma_wait3A_221 = tpu.memref_slice %arg8[%dma_wait3A_220] : memref<262144xf32, #tpu.memory_space<vmem_shared>> -> memref<262144xf32, #tpu.memory_space<vmem_shared>>
      tpu.wait_indirect_dma semaphore(%arg10 : memref<!tpu.dma_semaphore, #tpu.memory_space<semaphore_mem>>) src(%dma_wait3A_216 : memref<128xf32, #tpu.memory_space<vmem>>) dst(%dma_wait3A_221 : memref<262144xf32, #tpu.memory_space<vmem_shared>>)
      %dma_wait3A_222 = arith.constant 4 : i32
      %dma_wait3A_223 = arith.constant 4 : i32
      %dma_wait3A_224 = arith.constant 0 : i32
      %dma_wait3A_225 = tpu.memref_slice %arg6[%dma_wait3A_222, %dma_wait3A_224] : memref<16x128xf32, #tpu.memory_space<vmem>> -> memref<1x128xf32, #tpu.memory_space<vmem>>
      %dma_wait3A_226 = tpu.memref_squeeze %dma_wait3A_225 : memref<1x128xf32, #tpu.memory_space<vmem>> -> memref<128xf32, #tpu.memory_space<vmem>>
      %dma_wait3A_227 = arith.constant 0 : i32
      %dma_wait3A_228 = tpu.memref_slice %arg7[%dma_wait3A_223, %dma_wait3A_227] : memref<16x128xi32, #tpu.memory_space<vmem>> -> memref<1x128xi32, #tpu.memory_space<vmem>>
      %dma_wait3A_229 = tpu.memref_squeeze %dma_wait3A_228 : memref<1x128xi32, #tpu.memory_space<vmem>> -> memref<128xi32, #tpu.memory_space<vmem>>
      %dma_wait3A_230 = arith.constant 0 : i32
      %dma_wait3A_231 = tpu.memref_slice %arg8[%dma_wait3A_230] : memref<262144xf32, #tpu.memory_space<vmem_shared>> -> memref<262144xf32, #tpu.memory_space<vmem_shared>>
      tpu.wait_indirect_dma semaphore(%arg10 : memref<!tpu.dma_semaphore, #tpu.memory_space<semaphore_mem>>) src(%dma_wait3A_226 : memref<128xf32, #tpu.memory_space<vmem>>) dst(%dma_wait3A_231 : memref<262144xf32, #tpu.memory_space<vmem_shared>>)
      %dma_wait3A_232 = arith.constant 5 : i32
      %dma_wait3A_233 = arith.constant 5 : i32
      %dma_wait3A_234 = arith.constant 0 : i32
      %dma_wait3A_235 = tpu.memref_slice %arg6[%dma_wait3A_232, %dma_wait3A_234] : memref<16x128xf32, #tpu.memory_space<vmem>> -> memref<1x128xf32, #tpu.memory_space<vmem>>
      %dma_wait3A_236 = tpu.memref_squeeze %dma_wait3A_235 : memref<1x128xf32, #tpu.memory_space<vmem>> -> memref<128xf32, #tpu.memory_space<vmem>>
      %dma_wait3A_237 = arith.constant 0 : i32
      %dma_wait3A_238 = tpu.memref_slice %arg7[%dma_wait3A_233, %dma_wait3A_237] : memref<16x128xi32, #tpu.memory_space<vmem>> -> memref<1x128xi32, #tpu.memory_space<vmem>>
      %dma_wait3A_239 = tpu.memref_squeeze %dma_wait3A_238 : memref<1x128xi32, #tpu.memory_space<vmem>> -> memref<128xi32, #tpu.memory_space<vmem>>
      %dma_wait3A_240 = arith.constant 0 : i32
      %dma_wait3A_241 = tpu.memref_slice %arg8[%dma_wait3A_240] : memref<262144xf32, #tpu.memory_space<vmem_shared>> -> memref<262144xf32, #tpu.memory_space<vmem_shared>>
      tpu.wait_indirect_dma semaphore(%arg10 : memref<!tpu.dma_semaphore, #tpu.memory_space<semaphore_mem>>) src(%dma_wait3A_236 : memref<128xf32, #tpu.memory_space<vmem>>) dst(%dma_wait3A_241 : memref<262144xf32, #tpu.memory_space<vmem_shared>>)
      %dma_wait3A_242 = arith.constant 6 : i32
      %dma_wait3A_243 = arith.constant 6 : i32
      %dma_wait3A_244 = arith.constant 0 : i32
      %dma_wait3A_245 = tpu.memref_slice %arg6[%dma_wait3A_242, %dma_wait3A_244] : memref<16x128xf32, #tpu.memory_space<vmem>> -> memref<1x128xf32, #tpu.memory_space<vmem>>
      %dma_wait3A_246 = tpu.memref_squeeze %dma_wait3A_245 : memref<1x128xf32, #tpu.memory_space<vmem>> -> memref<128xf32, #tpu.memory_space<vmem>>
      %dma_wait3A_247 = arith.constant 0 : i32
      %dma_wait3A_248 = tpu.memref_slice %arg7[%dma_wait3A_243, %dma_wait3A_247] : memref<16x128xi32, #tpu.memory_space<vmem>> -> memref<1x128xi32, #tpu.memory_space<vmem>>
      %dma_wait3A_249 = tpu.memref_squeeze %dma_wait3A_248 : memref<1x128xi32, #tpu.memory_space<vmem>> -> memref<128xi32, #tpu.memory_space<vmem>>
      %dma_wait3A_250 = arith.constant 0 : i32
      %dma_wait3A_251 = tpu.memref_slice %arg8[%dma_wait3A_250] : memref<262144xf32, #tpu.memory_space<vmem_shared>> -> memref<262144xf32, #tpu.memory_space<vmem_shared>>
      tpu.wait_indirect_dma semaphore(%arg10 : memref<!tpu.dma_semaphore, #tpu.memory_space<semaphore_mem>>) src(%dma_wait3A_246 : memref<128xf32, #tpu.memory_space<vmem>>) dst(%dma_wait3A_251 : memref<262144xf32, #tpu.memory_space<vmem_shared>>)
      %dma_wait3A_252 = arith.constant 7 : i32
      %dma_wait3A_253 = arith.constant 7 : i32
      %dma_wait3A_254 = arith.constant 0 : i32
      %dma_wait3A_255 = tpu.memref_slice %arg6[%dma_wait3A_252, %dma_wait3A_254] : memref<16x128xf32, #tpu.memory_space<vmem>> -> memref<1x128xf32, #tpu.memory_space<vmem>>
      %dma_wait3A_256 = tpu.memref_squeeze %dma_wait3A_255 : memref<1x128xf32, #tpu.memory_space<vmem>> -> memref<128xf32, #tpu.memory_space<vmem>>
      %dma_wait3A_257 = arith.constant 0 : i32
      %dma_wait3A_258 = tpu.memref_slice %arg7[%dma_wait3A_253, %dma_wait3A_257] : memref<16x128xi32, #tpu.memory_space<vmem>> -> memref<1x128xi32, #tpu.memory_space<vmem>>
      %dma_wait3A_259 = tpu.memref_squeeze %dma_wait3A_258 : memref<1x128xi32, #tpu.memory_space<vmem>> -> memref<128xi32, #tpu.memory_space<vmem>>
      %dma_wait3A_260 = arith.constant 0 : i32
      %dma_wait3A_261 = tpu.memref_slice %arg8[%dma_wait3A_260] : memref<262144xf32, #tpu.memory_space<vmem_shared>> -> memref<262144xf32, #tpu.memory_space<vmem_shared>>
      tpu.wait_indirect_dma semaphore(%arg10 : memref<!tpu.dma_semaphore, #tpu.memory_space<semaphore_mem>>) src(%dma_wait3A_256 : memref<128xf32, #tpu.memory_space<vmem>>) dst(%dma_wait3A_261 : memref<262144xf32, #tpu.memory_space<vmem_shared>>)
      %dma_wait3A_262 = arith.constant 8 : i32
      %dma_wait3A_263 = arith.constant 8 : i32
      %dma_wait3A_264 = arith.constant 0 : i32
      %dma_wait3A_265 = tpu.memref_slice %arg6[%dma_wait3A_262, %dma_wait3A_264] : memref<16x128xf32, #tpu.memory_space<vmem>> -> memref<1x128xf32, #tpu.memory_space<vmem>>
      %dma_wait3A_266 = tpu.memref_squeeze %dma_wait3A_265 : memref<1x128xf32, #tpu.memory_space<vmem>> -> memref<128xf32, #tpu.memory_space<vmem>>
      %dma_wait3A_267 = arith.constant 0 : i32
      %dma_wait3A_268 = tpu.memref_slice %arg7[%dma_wait3A_263, %dma_wait3A_267] : memref<16x128xi32, #tpu.memory_space<vmem>> -> memref<1x128xi32, #tpu.memory_space<vmem>>
      %dma_wait3A_269 = tpu.memref_squeeze %dma_wait3A_268 : memref<1x128xi32, #tpu.memory_space<vmem>> -> memref<128xi32, #tpu.memory_space<vmem>>
      %dma_wait3A_270 = arith.constant 0 : i32
      %dma_wait3A_271 = tpu.memref_slice %arg8[%dma_wait3A_270] : memref<262144xf32, #tpu.memory_space<vmem_shared>> -> memref<262144xf32, #tpu.memory_space<vmem_shared>>
      tpu.wait_indirect_dma semaphore(%arg10 : memref<!tpu.dma_semaphore, #tpu.memory_space<semaphore_mem>>) src(%dma_wait3A_266 : memref<128xf32, #tpu.memory_space<vmem>>) dst(%dma_wait3A_271 : memref<262144xf32, #tpu.memory_space<vmem_shared>>)
      %dma_wait3A_272 = arith.constant 9 : i32
      %dma_wait3A_273 = arith.constant 9 : i32
      %dma_wait3A_274 = arith.constant 0 : i32
      %dma_wait3A_275 = tpu.memref_slice %arg6[%dma_wait3A_272, %dma_wait3A_274] : memref<16x128xf32, #tpu.memory_space<vmem>> -> memref<1x128xf32, #tpu.memory_space<vmem>>
      %dma_wait3A_276 = tpu.memref_squeeze %dma_wait3A_275 : memref<1x128xf32, #tpu.memory_space<vmem>> -> memref<128xf32, #tpu.memory_space<vmem>>
      %dma_wait3A_277 = arith.constant 0 : i32
      %dma_wait3A_278 = tpu.memref_slice %arg7[%dma_wait3A_273, %dma_wait3A_277] : memref<16x128xi32, #tpu.memory_space<vmem>> -> memref<1x128xi32, #tpu.memory_space<vmem>>
      %dma_wait3A_279 = tpu.memref_squeeze %dma_wait3A_278 : memref<1x128xi32, #tpu.memory_space<vmem>> -> memref<128xi32, #tpu.memory_space<vmem>>
      %dma_wait3A_280 = arith.constant 0 : i32
      %dma_wait3A_281 = tpu.memref_slice %arg8[%dma_wait3A_280] : memref<262144xf32, #tpu.memory_space<vmem_shared>> -> memref<262144xf32, #tpu.memory_space<vmem_shared>>
      tpu.wait_indirect_dma semaphore(%arg10 : memref<!tpu.dma_semaphore, #tpu.memory_space<semaphore_mem>>) src(%dma_wait3A_276 : memref<128xf32, #tpu.memory_space<vmem>>) dst(%dma_wait3A_281 : memref<262144xf32, #tpu.memory_space<vmem_shared>>)
      %dma_wait3A_282 = arith.constant 10 : i32
      %dma_wait3A_283 = arith.constant 10 : i32
      %dma_wait3A_284 = arith.constant 0 : i32
      %dma_wait3A_285 = tpu.memref_slice %arg6[%dma_wait3A_282, %dma_wait3A_284] : memref<16x128xf32, #tpu.memory_space<vmem>> -> memref<1x128xf32, #tpu.memory_space<vmem>>
      %dma_wait3A_286 = tpu.memref_squeeze %dma_wait3A_285 : memref<1x128xf32, #tpu.memory_space<vmem>> -> memref<128xf32, #tpu.memory_space<vmem>>
      %dma_wait3A_287 = arith.constant 0 : i32
      %dma_wait3A_288 = tpu.memref_slice %arg7[%dma_wait3A_283, %dma_wait3A_287] : memref<16x128xi32, #tpu.memory_space<vmem>> -> memref<1x128xi32, #tpu.memory_space<vmem>>
      %dma_wait3A_289 = tpu.memref_squeeze %dma_wait3A_288 : memref<1x128xi32, #tpu.memory_space<vmem>> -> memref<128xi32, #tpu.memory_space<vmem>>
      %dma_wait3A_290 = arith.constant 0 : i32
      %dma_wait3A_291 = tpu.memref_slice %arg8[%dma_wait3A_290] : memref<262144xf32, #tpu.memory_space<vmem_shared>> -> memref<262144xf32, #tpu.memory_space<vmem_shared>>
      tpu.wait_indirect_dma semaphore(%arg10 : memref<!tpu.dma_semaphore, #tpu.memory_space<semaphore_mem>>) src(%dma_wait3A_286 : memref<128xf32, #tpu.memory_space<vmem>>) dst(%dma_wait3A_291 : memref<262144xf32, #tpu.memory_space<vmem_shared>>)
      %dma_wait3A_292 = arith.constant 11 : i32
      %dma_wait3A_293 = arith.constant 11 : i32
      %dma_wait3A_294 = arith.constant 0 : i32
      %dma_wait3A_295 = tpu.memref_slice %arg6[%dma_wait3A_292, %dma_wait3A_294] : memref<16x128xf32, #tpu.memory_space<vmem>> -> memref<1x128xf32, #tpu.memory_space<vmem>>
      %dma_wait3A_296 = tpu.memref_squeeze %dma_wait3A_295 : memref<1x128xf32, #tpu.memory_space<vmem>> -> memref<128xf32, #tpu.memory_space<vmem>>
      %dma_wait3A_297 = arith.constant 0 : i32
      %dma_wait3A_298 = tpu.memref_slice %arg7[%dma_wait3A_293, %dma_wait3A_297] : memref<16x128xi32, #tpu.memory_space<vmem>> -> memref<1x128xi32, #tpu.memory_space<vmem>>
      %dma_wait3A_299 = tpu.memref_squeeze %dma_wait3A_298 : memref<1x128xi32, #tpu.memory_space<vmem>> -> memref<128xi32, #tpu.memory_space<vmem>>
      %dma_wait3A_300 = arith.constant 0 : i32
      %dma_wait3A_301 = tpu.memref_slice %arg8[%dma_wait3A_300] : memref<262144xf32, #tpu.memory_space<vmem_shared>> -> memref<262144xf32, #tpu.memory_space<vmem_shared>>
      tpu.wait_indirect_dma semaphore(%arg10 : memref<!tpu.dma_semaphore, #tpu.memory_space<semaphore_mem>>) src(%dma_wait3A_296 : memref<128xf32, #tpu.memory_space<vmem>>) dst(%dma_wait3A_301 : memref<262144xf32, #tpu.memory_space<vmem_shared>>)
      %dma_wait3A_302 = arith.constant 12 : i32
      %dma_wait3A_303 = arith.constant 12 : i32
      %dma_wait3A_304 = arith.constant 0 : i32
      %dma_wait3A_305 = tpu.memref_slice %arg6[%dma_wait3A_302, %dma_wait3A_304] : memref<16x128xf32, #tpu.memory_space<vmem>> -> memref<1x128xf32, #tpu.memory_space<vmem>>
      %dma_wait3A_306 = tpu.memref_squeeze %dma_wait3A_305 : memref<1x128xf32, #tpu.memory_space<vmem>> -> memref<128xf32, #tpu.memory_space<vmem>>
      %dma_wait3A_307 = arith.constant 0 : i32
      %dma_wait3A_308 = tpu.memref_slice %arg7[%dma_wait3A_303, %dma_wait3A_307] : memref<16x128xi32, #tpu.memory_space<vmem>> -> memref<1x128xi32, #tpu.memory_space<vmem>>
      %dma_wait3A_309 = tpu.memref_squeeze %dma_wait3A_308 : memref<1x128xi32, #tpu.memory_space<vmem>> -> memref<128xi32, #tpu.memory_space<vmem>>
      %dma_wait3A_310 = arith.constant 0 : i32
      %dma_wait3A_311 = tpu.memref_slice %arg8[%dma_wait3A_310] : memref<262144xf32, #tpu.memory_space<vmem_shared>> -> memref<262144xf32, #tpu.memory_space<vmem_shared>>
      tpu.wait_indirect_dma semaphore(%arg10 : memref<!tpu.dma_semaphore, #tpu.memory_space<semaphore_mem>>) src(%dma_wait3A_306 : memref<128xf32, #tpu.memory_space<vmem>>) dst(%dma_wait3A_311 : memref<262144xf32, #tpu.memory_space<vmem_shared>>)
      %dma_wait3A_312 = arith.constant 13 : i32
      %dma_wait3A_313 = arith.constant 13 : i32
      %dma_wait3A_314 = arith.constant 0 : i32
      %dma_wait3A_315 = tpu.memref_slice %arg6[%dma_wait3A_312, %dma_wait3A_314] : memref<16x128xf32, #tpu.memory_space<vmem>> -> memref<1x128xf32, #tpu.memory_space<vmem>>
      %dma_wait3A_316 = tpu.memref_squeeze %dma_wait3A_315 : memref<1x128xf32, #tpu.memory_space<vmem>> -> memref<128xf32, #tpu.memory_space<vmem>>
      %dma_wait3A_317 = arith.constant 0 : i32
      %dma_wait3A_318 = tpu.memref_slice %arg7[%dma_wait3A_313, %dma_wait3A_317] : memref<16x128xi32, #tpu.memory_space<vmem>> -> memref<1x128xi32, #tpu.memory_space<vmem>>
      %dma_wait3A_319 = tpu.memref_squeeze %dma_wait3A_318 : memref<1x128xi32, #tpu.memory_space<vmem>> -> memref<128xi32, #tpu.memory_space<vmem>>
      %dma_wait3A_320 = arith.constant 0 : i32
      %dma_wait3A_321 = tpu.memref_slice %arg8[%dma_wait3A_320] : memref<262144xf32, #tpu.memory_space<vmem_shared>> -> memref<262144xf32, #tpu.memory_space<vmem_shared>>
      tpu.wait_indirect_dma semaphore(%arg10 : memref<!tpu.dma_semaphore, #tpu.memory_space<semaphore_mem>>) src(%dma_wait3A_316 : memref<128xf32, #tpu.memory_space<vmem>>) dst(%dma_wait3A_321 : memref<262144xf32, #tpu.memory_space<vmem_shared>>)
      %dma_wait3A_322 = arith.constant 14 : i32
      %dma_wait3A_323 = arith.constant 14 : i32
      %dma_wait3A_324 = arith.constant 0 : i32
      %dma_wait3A_325 = tpu.memref_slice %arg6[%dma_wait3A_322, %dma_wait3A_324] : memref<16x128xf32, #tpu.memory_space<vmem>> -> memref<1x128xf32, #tpu.memory_space<vmem>>
      %dma_wait3A_326 = tpu.memref_squeeze %dma_wait3A_325 : memref<1x128xf32, #tpu.memory_space<vmem>> -> memref<128xf32, #tpu.memory_space<vmem>>
      %dma_wait3A_327 = arith.constant 0 : i32
      %dma_wait3A_328 = tpu.memref_slice %arg7[%dma_wait3A_323, %dma_wait3A_327] : memref<16x128xi32, #tpu.memory_space<vmem>> -> memref<1x128xi32, #tpu.memory_space<vmem>>
      %dma_wait3A_329 = tpu.memref_squeeze %dma_wait3A_328 : memref<1x128xi32, #tpu.memory_space<vmem>> -> memref<128xi32, #tpu.memory_space<vmem>>
      %dma_wait3A_330 = arith.constant 0 : i32
      %dma_wait3A_331 = tpu.memref_slice %arg8[%dma_wait3A_330] : memref<262144xf32, #tpu.memory_space<vmem_shared>> -> memref<262144xf32, #tpu.memory_space<vmem_shared>>
      tpu.wait_indirect_dma semaphore(%arg10 : memref<!tpu.dma_semaphore, #tpu.memory_space<semaphore_mem>>) src(%dma_wait3A_326 : memref<128xf32, #tpu.memory_space<vmem>>) dst(%dma_wait3A_331 : memref<262144xf32, #tpu.memory_space<vmem_shared>>)
      %dma_wait3A_332 = arith.constant 15 : i32
      %dma_wait3A_333 = arith.constant 15 : i32
      %dma_wait3A_334 = arith.constant 0 : i32
      %dma_wait3A_335 = tpu.memref_slice %arg6[%dma_wait3A_332, %dma_wait3A_334] : memref<16x128xf32, #tpu.memory_space<vmem>> -> memref<1x128xf32, #tpu.memory_space<vmem>>
      %dma_wait3A_336 = tpu.memref_squeeze %dma_wait3A_335 : memref<1x128xf32, #tpu.memory_space<vmem>> -> memref<128xf32, #tpu.memory_space<vmem>>
      %dma_wait3A_337 = arith.constant 0 : i32
      %dma_wait3A_338 = tpu.memref_slice %arg7[%dma_wait3A_333, %dma_wait3A_337] : memref<16x128xi32, #tpu.memory_space<vmem>> -> memref<1x128xi32, #tpu.memory_space<vmem>>
      %dma_wait3A_339 = tpu.memref_squeeze %dma_wait3A_338 : memref<1x128xi32, #tpu.memory_space<vmem>> -> memref<128xi32, #tpu.memory_space<vmem>>
      %dma_wait3A_340 = arith.constant 0 : i32
      %dma_wait3A_341 = tpu.memref_slice %arg8[%dma_wait3A_340] : memref<262144xf32, #tpu.memory_space<vmem_shared>> -> memref<262144xf32, #tpu.memory_space<vmem_shared>>
      tpu.wait_indirect_dma semaphore(%arg10 : memref<!tpu.dma_semaphore, #tpu.memory_space<semaphore_mem>>) src(%dma_wait3A_336 : memref<128xf32, #tpu.memory_space<vmem>>) dst(%dma_wait3A_341 : memref<262144xf32, #tpu.memory_space<vmem_shared>>)
      %barrier3A_342 = arith.constant 0 : index
      tpu.barrier barrier_id(%barrier3A_342)
      "tpu.region"() ({
        %run_scoped3A = tpu.sem_alloc : memref<!tpu.dma_semaphore, #tpu.memory_space<semaphore_mem>>
        %dma_start3A_343 = arith.constant 0 : i32
        %dma_start3A_344 = tpu.memref_slice %arg5[%arg1, %dma_start3A_343] : memref<16x16384xf32, #tpu.memory_space<hbm>> -> memref<1x16384xf32, #tpu.memory_space<hbm>>
        %dma_start3A_345 = tpu.memref_squeeze %dma_start3A_344 : memref<1x16384xf32, #tpu.memory_space<hbm>> -> memref<16384xf32, #tpu.memory_space<hbm>>
        %dma_start3A_346 = tpu.memref_slice %arg8[%multiple_of3A_5] : memref<262144xf32, #tpu.memory_space<vmem_shared>> -> memref<16384xf32, #tpu.memory_space<vmem_shared>>
        tpu.enqueue_dma source(%dma_start3A_346 : memref<16384xf32, #tpu.memory_space<vmem_shared>>) target(%dma_start3A_345 : memref<16384xf32, #tpu.memory_space<hbm>>) target_semaphore(%run_scoped3A : memref<!tpu.dma_semaphore, #tpu.memory_space<semaphore_mem>>)
        %dma_wait3A_347 = arith.constant 0 : i32
        %dma_wait3A_348 = tpu.memref_slice %arg5[%arg1, %dma_wait3A_347] : memref<16x16384xf32, #tpu.memory_space<hbm>> -> memref<1x16384xf32, #tpu.memory_space<hbm>>
        %dma_wait3A_349 = tpu.memref_squeeze %dma_wait3A_348 : memref<1x16384xf32, #tpu.memory_space<hbm>> -> memref<16384xf32, #tpu.memory_space<hbm>>
        %dma_wait3A_350 = tpu.memref_slice %arg8[%multiple_of3A_5] : memref<262144xf32, #tpu.memory_space<vmem_shared>> -> memref<16384xf32, #tpu.memory_space<vmem_shared>>
        tpu.wait_dma2 semaphore(%run_scoped3A : memref<!tpu.dma_semaphore, #tpu.memory_space<semaphore_mem>>) src(%dma_wait3A_350 : memref<16384xf32, #tpu.memory_space<vmem_shared>>) dst(%dma_wait3A_349 : memref<16384xf32, #tpu.memory_space<hbm>>)
        tpu.yield
      }) : () -> ()
    } else {
    }
    return
  }
}

module attributes {stable_mosaic.version = 14 : i64} {
  func.func @_tc_body(%arg0: memref<512x512xf32, #tpu.memory_space<vmem>>, %arg1: memref<512x512xf32, #tpu.memory_space<vmem>>, %arg2: memref<2x3x768x256xf32, #tpu.memory_space<hbm>>, %arg3: memref<2x3x768x256xf32, #tpu.memory_space<hbm>>, %arg4: memref<1x256xf32, #tpu.memory_space<vmem>>, %arg5: memref<1x256xf32, #tpu.memory_space<vmem>>, %arg6: memref<1x512xf32, #tpu.memory_space<vmem>>, %arg7: memref<1x1xf32, #tpu.memory_space<vmem>>, %arg8: memref<2048x128xf32, #tpu.memory_space<vmem>>, %arg9: memref<2x3x512x256xf32, #tpu.memory_space<vmem>>, %arg10: memref<2x3x512x256xf32, #tpu.memory_space<vmem>>, %arg11: memref<!tpu.dma_semaphore, #tpu.memory_space<semaphore_mem>>) attributes {dimension_semantics = [], scalar_prefetch = 0 : i64, scratch_operands = 3 : i64, tpu.core_type = #tpu.core_type<tc>} {
    %dma_start3A = arith.constant 0 : i32
    %dma_start3A_0 = arith.constant 0 : i32
    %dma_start3A_1 = arith.constant 0 : i32
    %dma_start3A_2 = arith.constant 0 : i32
    %dma_start3A_3 = tpu.memref_slice %arg2[%dma_start3A, %dma_start3A_0, %dma_start3A_1, %dma_start3A_2] : memref<2x3x768x256xf32, #tpu.memory_space<hbm>> -> memref<2x3x512x256xf32, #tpu.memory_space<hbm>>
    tpu.enqueue_dma source(%dma_start3A_3 : memref<2x3x512x256xf32, #tpu.memory_space<hbm>>) target(%arg9 : memref<2x3x512x256xf32, #tpu.memory_space<vmem>>) target_semaphore(%arg11 : memref<!tpu.dma_semaphore, #tpu.memory_space<semaphore_mem>>)
    %dma_start3A_4 = arith.constant 0 : i32
    %dma_start3A_5 = arith.constant 0 : i32
    %dma_start3A_6 = arith.constant 0 : i32
    %dma_start3A_7 = arith.constant 0 : i32
    %dma_start3A_8 = tpu.memref_slice %arg3[%dma_start3A_4, %dma_start3A_5, %dma_start3A_6, %dma_start3A_7] : memref<2x3x768x256xf32, #tpu.memory_space<hbm>> -> memref<2x3x512x256xf32, #tpu.memory_space<hbm>>
    tpu.enqueue_dma source(%dma_start3A_8 : memref<2x3x512x256xf32, #tpu.memory_space<hbm>>) target(%arg10 : memref<2x3x512x256xf32, #tpu.memory_space<vmem>>) target_semaphore(%arg11 : memref<!tpu.dma_semaphore, #tpu.memory_space<semaphore_mem>>)
    %get3A = arith.constant 0 : index
    %get3A_9 = arith.constant 0 : index
    %get3A_10 = vector.load %arg0[%get3A, %get3A_9] : memref<512x512xf32, #tpu.memory_space<vmem>>, vector<512x512xf32>
    %reduce_sum3A = arith.constant dense<0.000000e+00> : vector<512xf32>
    %reduce_sum3A_11 = vector.multi_reduction <add>, %get3A_10, %reduce_sum3A [1] : vector<512x512xf32> to vector<512xf32>
    %broadcast_in_dim3A = vector.shape_cast %reduce_sum3A_11 : vector<512xf32> to vector<512x1xf32>
    %reduce_sum3A_12 = arith.constant dense<0.000000e+00> : vector<512xf32>
    %reduce_sum3A_13 = vector.multi_reduction <add>, %get3A_10, %reduce_sum3A_12 [0] : vector<512x512xf32> to vector<512xf32>
    %broadcast_in_dim3A_14 = vector.shape_cast %reduce_sum3A_13 : vector<512xf32> to vector<1x512xf32>
    %gt3A = arith.constant 0.000000e+00 : f32
    %gt3A_15 = vector.broadcast %gt3A : f32 to vector<512x1xf32>
    %gt3A_16 = arith.cmpf ogt, %broadcast_in_dim3A, %gt3A_15 : vector<512x1xf32>
    %div3A = arith.constant 1.000000e+00 : f32
    %div3A_17 = vector.broadcast %div3A : f32 to vector<512x1xf32>
    %div3A_18 = arith.divf %div3A_17, %broadcast_in_dim3A : vector<512x1xf32>
    %jit3A = arith.constant 0.000000e+00 : f32
    %broadcast_in_dim3A_19 = vector.broadcast %jit3A : f32 to vector<512x1xf32>
    %select_n3A = arith.select %gt3A_16, %div3A_18, %broadcast_in_dim3A_19 : vector<512x1xi1>, vector<512x1xf32>
    %gt3A_20 = arith.constant 0.000000e+00 : f32
    %gt3A_21 = vector.broadcast %gt3A_20 : f32 to vector<1x512xf32>
    %gt3A_22 = arith.cmpf ogt, %broadcast_in_dim3A_14, %gt3A_21 : vector<1x512xf32>
    %div3A_23 = arith.constant 1.000000e+00 : f32
    %div3A_24 = vector.broadcast %div3A_23 : f32 to vector<1x512xf32>
    %div3A_25 = arith.divf %div3A_24, %broadcast_in_dim3A_14 : vector<1x512xf32>
    %jit3A_26 = arith.constant 0.000000e+00 : f32
    %broadcast_in_dim3A_27 = vector.broadcast %jit3A_26 : f32 to vector<1x512xf32>
    %select_n3A_28 = arith.select %gt3A_22, %div3A_25, %broadcast_in_dim3A_27 : vector<1x512xi1>, vector<1x512xf32>
    %mul3A = vector.broadcast %select_n3A : vector<512x1xf32> to vector<512x512xf32>
    %mul3A_29 = arith.mulf %get3A_10, %mul3A : vector<512x512xf32>
    %mul3A_30 = vector.broadcast %select_n3A_28 : vector<1x512xf32> to vector<512x512xf32>
    %mul3A_31 = arith.mulf %get3A_10, %mul3A_30 : vector<512x512xf32>
    %get3A_32 = arith.constant 0 : index
    %get3A_33 = arith.constant 0 : index
    %get3A_34 = vector.load %arg1[%get3A_32, %get3A_33] : memref<512x512xf32, #tpu.memory_space<vmem>>, vector<512x512xf32>
    %dot_general3A = arith.constant dense<0.000000e+00> : vector<512x512xf32>
    %dot_general3A_35 = tpu.matmul %mul3A_29, %get3A_34, %dot_general3A {dimension_numbers = #tpu.dot_dimension_numbers<[0], [0], [1], [1], [0, 1, 1, 1], [], []>, transpose_lhs_hint = false} : vector<512x512xf32>, vector<512x512xf32>, vector<512x512xf32> -> vector<512x512xf32>
    %dot_general3A_36 = arith.constant dense<0.000000e+00> : vector<512x512xf32>
    %dot_general3A_37 = tpu.matmul %mul3A_31, %get3A_34, %dot_general3A_36 {dimension_numbers = #tpu.dot_dimension_numbers<[1], [0], [0], [1], [0, 0, 1, 1], [], []>, transpose_lhs_hint = false} : vector<512x512xf32>, vector<512x512xf32>, vector<512x512xf32> -> vector<512x512xf32>
    %dot_general3A_38 = arith.constant dense<0.000000e+00> : vector<512x512xf32>
    %dot_general3A_39 = tpu.matmul %mul3A_29, %dot_general3A_35, %dot_general3A_38 {dimension_numbers = #tpu.dot_dimension_numbers<[0], [0], [1], [1], [0, 1, 1, 1], [], []>, transpose_lhs_hint = false} : vector<512x512xf32>, vector<512x512xf32>, vector<512x512xf32> -> vector<512x512xf32>
    %mul3A_40 = arith.constant 2.000000e+00 : f32
    %mul3A_41 = vector.broadcast %mul3A_40 : f32 to vector<512x512xf32>
    %mul3A_42 = arith.mulf %mul3A_41, %dot_general3A_39 : vector<512x512xf32>
    %sub3A = arith.subf %mul3A_42, %get3A_34 : vector<512x512xf32>
    %dot_general3A_43 = arith.constant dense<0.000000e+00> : vector<512x512xf32>
    %dot_general3A_44 = tpu.matmul %mul3A_31, %dot_general3A_37, %dot_general3A_43 {dimension_numbers = #tpu.dot_dimension_numbers<[1], [0], [0], [1], [0, 0, 1, 1], [], []>, transpose_lhs_hint = false} : vector<512x512xf32>, vector<512x512xf32>, vector<512x512xf32> -> vector<512x512xf32>
    %mul3A_45 = arith.constant 2.000000e+00 : f32
    %mul3A_46 = vector.broadcast %mul3A_45 : f32 to vector<512x512xf32>
    %mul3A_47 = arith.mulf %mul3A_46, %dot_general3A_44 : vector<512x512xf32>
    %sub3A_48 = arith.subf %mul3A_47, %get3A_34 : vector<512x512xf32>
    %dma_wait3A = arith.constant 0 : i32
    %dma_wait3A_49 = arith.constant 0 : i32
    %dma_wait3A_50 = arith.constant 0 : i32
    %dma_wait3A_51 = arith.constant 0 : i32
    %dma_wait3A_52 = tpu.memref_slice %arg2[%dma_wait3A, %dma_wait3A_49, %dma_wait3A_50, %dma_wait3A_51] : memref<2x3x768x256xf32, #tpu.memory_space<hbm>> -> memref<2x3x512x256xf32, #tpu.memory_space<hbm>>
    tpu.wait_dma2 semaphore(%arg11 : memref<!tpu.dma_semaphore, #tpu.memory_space<semaphore_mem>>) src(%dma_wait3A_52 : memref<2x3x512x256xf32, #tpu.memory_space<hbm>>) dst(%arg9 : memref<2x3x512x256xf32, #tpu.memory_space<vmem>>)
    %dma_wait3A_53 = arith.constant 0 : i32
    %dma_wait3A_54 = arith.constant 0 : i32
    %dma_wait3A_55 = arith.constant 0 : i32
    %dma_wait3A_56 = arith.constant 0 : i32
    %dma_wait3A_57 = tpu.memref_slice %arg3[%dma_wait3A_53, %dma_wait3A_54, %dma_wait3A_55, %dma_wait3A_56] : memref<2x3x768x256xf32, #tpu.memory_space<hbm>> -> memref<2x3x512x256xf32, #tpu.memory_space<hbm>>
    tpu.wait_dma2 semaphore(%arg11 : memref<!tpu.dma_semaphore, #tpu.memory_space<semaphore_mem>>) src(%dma_wait3A_57 : memref<2x3x512x256xf32, #tpu.memory_space<hbm>>) dst(%arg10 : memref<2x3x512x256xf32, #tpu.memory_space<vmem>>)
    %get3A_58 = arith.constant 0 : index
    %get3A_59 = arith.constant 0 : index
    %get3A_60 = arith.constant 0 : index
    %get3A_61 = arith.constant 0 : index
    %get3A_62 = vector.load %arg9[%get3A_58, %get3A_59, %get3A_60, %get3A_61] : memref<2x3x512x256xf32, #tpu.memory_space<vmem>>, vector<1x1x512x256xf32>
    %get3A_63 = vector.shape_cast %get3A_62 : vector<1x1x512x256xf32> to vector<512x256xf32>
    %get3A_64 = arith.constant 1 : index
    %get3A_65 = arith.constant 0 : index
    %get3A_66 = arith.constant 0 : index
    %get3A_67 = arith.constant 0 : index
    %get3A_68 = vector.load %arg9[%get3A_64, %get3A_65, %get3A_66, %get3A_67] : memref<2x3x512x256xf32, #tpu.memory_space<vmem>>, vector<1x1x512x256xf32>
    %get3A_69 = vector.shape_cast %get3A_68 : vector<1x1x512x256xf32> to vector<512x256xf32>
    %add3A = arith.addf %get3A_63, %get3A_69 : vector<512x256xf32>
    %dot_general3A_70 = arith.constant dense<0.000000e+00> : vector<512x256xf32>
    %dot_general3A_71 = tpu.matmul %get3A_34, %add3A, %dot_general3A_70 {dimension_numbers = #tpu.dot_dimension_numbers<[1], [0], [0], [1], [0, 0, 1, 1], [], []>, transpose_lhs_hint = false} : vector<512x512xf32>, vector<512x256xf32>, vector<512x256xf32> -> vector<512x256xf32>
    %get3A_72 = arith.constant 0 : index
    %get3A_73 = arith.constant 1 : index
    %get3A_74 = arith.constant 0 : index
    %get3A_75 = arith.constant 0 : index
    %get3A_76 = vector.load %arg9[%get3A_72, %get3A_73, %get3A_74, %get3A_75] : memref<2x3x512x256xf32, #tpu.memory_space<vmem>>, vector<1x1x512x256xf32>
    %get3A_77 = vector.shape_cast %get3A_76 : vector<1x1x512x256xf32> to vector<512x256xf32>
    %dot_general3A_78 = arith.constant dense<0.000000e+00> : vector<512x256xf32>
    %dot_general3A_79 = tpu.matmul %dot_general3A_35, %get3A_77, %dot_general3A_78 {dimension_numbers = #tpu.dot_dimension_numbers<[1], [0], [0], [1], [0, 0, 1, 1], [], []>, transpose_lhs_hint = false} : vector<512x512xf32>, vector<512x256xf32>, vector<512x256xf32> -> vector<512x256xf32>
    %add3A_80 = arith.addf %dot_general3A_71, %dot_general3A_79 : vector<512x256xf32>
    %get3A_81 = arith.constant 1 : index
    %get3A_82 = arith.constant 1 : index
    %get3A_83 = arith.constant 0 : index
    %get3A_84 = arith.constant 0 : index
    %get3A_85 = vector.load %arg9[%get3A_81, %get3A_82, %get3A_83, %get3A_84] : memref<2x3x512x256xf32, #tpu.memory_space<vmem>>, vector<1x1x512x256xf32>
    %get3A_86 = vector.shape_cast %get3A_85 : vector<1x1x512x256xf32> to vector<512x256xf32>
    %dot_general3A_87 = arith.constant dense<0.000000e+00> : vector<512x256xf32>
    %dot_general3A_88 = tpu.matmul %dot_general3A_37, %get3A_86, %dot_general3A_87 {dimension_numbers = #tpu.dot_dimension_numbers<[1], [0], [0], [1], [0, 0, 1, 1], [], []>, transpose_lhs_hint = false} : vector<512x512xf32>, vector<512x256xf32>, vector<512x256xf32> -> vector<512x256xf32>
    %add3A_89 = arith.addf %add3A_80, %dot_general3A_88 : vector<512x256xf32>
    %get3A_90 = arith.constant 0 : index
    %get3A_91 = arith.constant 2 : index
    %get3A_92 = arith.constant 0 : index
    %get3A_93 = arith.constant 0 : index
    %get3A_94 = vector.load %arg9[%get3A_90, %get3A_91, %get3A_92, %get3A_93] : memref<2x3x512x256xf32, #tpu.memory_space<vmem>>, vector<1x1x512x256xf32>
    %get3A_95 = vector.shape_cast %get3A_94 : vector<1x1x512x256xf32> to vector<512x256xf32>
    %dot_general3A_96 = arith.constant dense<0.000000e+00> : vector<512x256xf32>
    %dot_general3A_97 = tpu.matmul %sub3A, %get3A_95, %dot_general3A_96 {dimension_numbers = #tpu.dot_dimension_numbers<[1], [0], [0], [1], [0, 0, 1, 1], [], []>, transpose_lhs_hint = false} : vector<512x512xf32>, vector<512x256xf32>, vector<512x256xf32> -> vector<512x256xf32>
    %add3A_98 = arith.addf %add3A_89, %dot_general3A_97 : vector<512x256xf32>
    %get3A_99 = arith.constant 1 : index
    %get3A_100 = arith.constant 2 : index
    %get3A_101 = arith.constant 0 : index
    %get3A_102 = arith.constant 0 : index
    %get3A_103 = vector.load %arg9[%get3A_99, %get3A_100, %get3A_101, %get3A_102] : memref<2x3x512x256xf32, #tpu.memory_space<vmem>>, vector<1x1x512x256xf32>
    %get3A_104 = vector.shape_cast %get3A_103 : vector<1x1x512x256xf32> to vector<512x256xf32>
    %dot_general3A_105 = arith.constant dense<0.000000e+00> : vector<512x256xf32>
    %dot_general3A_106 = tpu.matmul %sub3A_48, %get3A_104, %dot_general3A_105 {dimension_numbers = #tpu.dot_dimension_numbers<[1], [0], [0], [1], [0, 0, 1, 1], [], []>, transpose_lhs_hint = false} : vector<512x512xf32>, vector<512x256xf32>, vector<512x256xf32> -> vector<512x256xf32>
    %add3A_107 = arith.addf %add3A_98, %dot_general3A_106 : vector<512x256xf32>
    %get3A_108 = arith.constant 0 : index
    %get3A_109 = arith.constant 0 : index
    %get3A_110 = vector.load %arg4[%get3A_108, %get3A_109] : memref<1x256xf32, #tpu.memory_space<vmem>>, vector<1x256xf32>
    %add3A_111 = vector.broadcast %get3A_110 : vector<1x256xf32> to vector<512x256xf32>
    %add3A_112 = arith.addf %add3A_107, %add3A_111 : vector<512x256xf32>
    %logistic3A = arith.negf %add3A_112 : vector<512x256xf32>
    %logistic3A_113 = math.exp %logistic3A : vector<512x256xf32>
    %logistic3A_114 = arith.constant 1.000000e+00 : f32
    %logistic3A_115 = vector.broadcast %logistic3A_114 : f32 to vector<512x256xf32>
    %logistic3A_116 = arith.addf %logistic3A_115, %logistic3A_113 : vector<512x256xf32>
    %logistic3A_117 = arith.divf %logistic3A_115, %logistic3A_116 : vector<512x256xf32>
    %get3A_118 = arith.constant 0 : index
    %get3A_119 = arith.constant 0 : index
    %get3A_120 = arith.constant 0 : index
    %get3A_121 = arith.constant 0 : index
    %get3A_122 = vector.load %arg10[%get3A_118, %get3A_119, %get3A_120, %get3A_121] : memref<2x3x512x256xf32, #tpu.memory_space<vmem>>, vector<1x1x512x256xf32>
    %get3A_123 = vector.shape_cast %get3A_122 : vector<1x1x512x256xf32> to vector<512x256xf32>
    %get3A_124 = arith.constant 1 : index
    %get3A_125 = arith.constant 0 : index
    %get3A_126 = arith.constant 0 : index
    %get3A_127 = arith.constant 0 : index
    %get3A_128 = vector.load %arg10[%get3A_124, %get3A_125, %get3A_126, %get3A_127] : memref<2x3x512x256xf32, #tpu.memory_space<vmem>>, vector<1x1x512x256xf32>
    %get3A_129 = vector.shape_cast %get3A_128 : vector<1x1x512x256xf32> to vector<512x256xf32>
    %add3A_130 = arith.addf %get3A_123, %get3A_129 : vector<512x256xf32>
    %dot_general3A_131 = arith.constant dense<0.000000e+00> : vector<512x256xf32>
    %dot_general3A_132 = tpu.matmul %get3A_34, %add3A_130, %dot_general3A_131 {dimension_numbers = #tpu.dot_dimension_numbers<[1], [0], [0], [1], [0, 0, 1, 1], [], []>, transpose_lhs_hint = false} : vector<512x512xf32>, vector<512x256xf32>, vector<512x256xf32> -> vector<512x256xf32>
    %get3A_133 = arith.constant 0 : index
    %get3A_134 = arith.constant 1 : index
    %get3A_135 = arith.constant 0 : index
    %get3A_136 = arith.constant 0 : index
    %get3A_137 = vector.load %arg10[%get3A_133, %get3A_134, %get3A_135, %get3A_136] : memref<2x3x512x256xf32, #tpu.memory_space<vmem>>, vector<1x1x512x256xf32>
    %get3A_138 = vector.shape_cast %get3A_137 : vector<1x1x512x256xf32> to vector<512x256xf32>
    %dot_general3A_139 = arith.constant dense<0.000000e+00> : vector<512x256xf32>
    %dot_general3A_140 = tpu.matmul %dot_general3A_35, %get3A_138, %dot_general3A_139 {dimension_numbers = #tpu.dot_dimension_numbers<[1], [0], [0], [1], [0, 0, 1, 1], [], []>, transpose_lhs_hint = false} : vector<512x512xf32>, vector<512x256xf32>, vector<512x256xf32> -> vector<512x256xf32>
    %add3A_141 = arith.addf %dot_general3A_132, %dot_general3A_140 : vector<512x256xf32>
    %get3A_142 = arith.constant 1 : index
    %get3A_143 = arith.constant 1 : index
    %get3A_144 = arith.constant 0 : index
    %get3A_145 = arith.constant 0 : index
    %get3A_146 = vector.load %arg10[%get3A_142, %get3A_143, %get3A_144, %get3A_145] : memref<2x3x512x256xf32, #tpu.memory_space<vmem>>, vector<1x1x512x256xf32>
    %get3A_147 = vector.shape_cast %get3A_146 : vector<1x1x512x256xf32> to vector<512x256xf32>
    %dot_general3A_148 = arith.constant dense<0.000000e+00> : vector<512x256xf32>
    %dot_general3A_149 = tpu.matmul %dot_general3A_37, %get3A_147, %dot_general3A_148 {dimension_numbers = #tpu.dot_dimension_numbers<[1], [0], [0], [1], [0, 0, 1, 1], [], []>, transpose_lhs_hint = false} : vector<512x512xf32>, vector<512x256xf32>, vector<512x256xf32> -> vector<512x256xf32>
    %add3A_150 = arith.addf %add3A_141, %dot_general3A_149 : vector<512x256xf32>
    %get3A_151 = arith.constant 0 : index
    %get3A_152 = arith.constant 2 : index
    %get3A_153 = arith.constant 0 : index
    %get3A_154 = arith.constant 0 : index
    %get3A_155 = vector.load %arg10[%get3A_151, %get3A_152, %get3A_153, %get3A_154] : memref<2x3x512x256xf32, #tpu.memory_space<vmem>>, vector<1x1x512x256xf32>
    %get3A_156 = vector.shape_cast %get3A_155 : vector<1x1x512x256xf32> to vector<512x256xf32>
    %dot_general3A_157 = arith.constant dense<0.000000e+00> : vector<512x256xf32>
    %dot_general3A_158 = tpu.matmul %sub3A, %get3A_156, %dot_general3A_157 {dimension_numbers = #tpu.dot_dimension_numbers<[1], [0], [0], [1], [0, 0, 1, 1], [], []>, transpose_lhs_hint = false} : vector<512x512xf32>, vector<512x256xf32>, vector<512x256xf32> -> vector<512x256xf32>
    %add3A_159 = arith.addf %add3A_150, %dot_general3A_158 : vector<512x256xf32>
    %get3A_160 = arith.constant 1 : index
    %get3A_161 = arith.constant 2 : index
    %get3A_162 = arith.constant 0 : index
    %get3A_163 = arith.constant 0 : index
    %get3A_164 = vector.load %arg10[%get3A_160, %get3A_161, %get3A_162, %get3A_163] : memref<2x3x512x256xf32, #tpu.memory_space<vmem>>, vector<1x1x512x256xf32>
    %get3A_165 = vector.shape_cast %get3A_164 : vector<1x1x512x256xf32> to vector<512x256xf32>
    %dot_general3A_166 = arith.constant dense<0.000000e+00> : vector<512x256xf32>
    %dot_general3A_167 = tpu.matmul %sub3A_48, %get3A_165, %dot_general3A_166 {dimension_numbers = #tpu.dot_dimension_numbers<[1], [0], [0], [1], [0, 0, 1, 1], [], []>, transpose_lhs_hint = false} : vector<512x512xf32>, vector<512x256xf32>, vector<512x256xf32> -> vector<512x256xf32>
    %add3A_168 = arith.addf %add3A_159, %dot_general3A_167 : vector<512x256xf32>
    %get3A_169 = arith.constant 0 : index
    %get3A_170 = arith.constant 0 : index
    %get3A_171 = vector.load %arg5[%get3A_169, %get3A_170] : memref<1x256xf32, #tpu.memory_space<vmem>>, vector<1x256xf32>
    %add3A_172 = vector.broadcast %get3A_171 : vector<1x256xf32> to vector<512x256xf32>
    %add3A_173 = arith.addf %add3A_168, %add3A_172 : vector<512x256xf32>
    %tanh3A = math.tanh %add3A_173 : vector<512x256xf32>
    %sub3A_174 = arith.constant 1.000000e+00 : f32
    %sub3A_175 = vector.broadcast %sub3A_174 : f32 to vector<512x256xf32>
    %sub3A_176 = arith.subf %sub3A_175, %logistic3A_117 : vector<512x256xf32>
    %mul3A_177 = arith.mulf %sub3A_176, %tanh3A : vector<512x256xf32>
    %max3A = arith.constant 0.000000e+00 : f32
    %max3A_178 = vector.broadcast %max3A : f32 to vector<512x256xf32>
    %max3A_179 = arith.maximumf %mul3A_177, %max3A_178 : vector<512x256xf32>
    %get3A_180 = arith.constant 0 : index
    %get3A_181 = arith.constant 0 : index
    %get3A_182 = vector.load %arg6[%get3A_180, %get3A_181] : memref<1x512xf32, #tpu.memory_space<vmem>>, vector<1x256xf32>
    %dot_general3A_183 = arith.constant dense<0.000000e+00> : vector<1x512xf32>
    %dot_general3A_184 = tpu.matmul %get3A_182, %max3A_179, %dot_general3A_183 {dimension_numbers = #tpu.dot_dimension_numbers<[1], [1], [0], [0], [0, 0, 1, 0], [], []>, transpose_lhs_hint = false} : vector<1x256xf32>, vector<512x256xf32>, vector<1x512xf32> -> vector<1x512xf32>
    %get3A_185 = arith.constant 0 : index
    %get3A_186 = arith.constant 256 : index
    %get3A_187 = vector.load %arg6[%get3A_185, %get3A_186] : memref<1x512xf32, #tpu.memory_space<vmem>>, vector<1x256xf32>
    %dot_general3A_188 = arith.constant dense<0.000000e+00> : vector<512x1xf32>
    %dot_general3A_189 = tpu.matmul %max3A_179, %get3A_187, %dot_general3A_188 {dimension_numbers = #tpu.dot_dimension_numbers<[1], [1], [0], [0], [0, 0, 1, 0], [], []>, transpose_lhs_hint = false} : vector<512x256xf32>, vector<1x256xf32>, vector<512x1xf32> -> vector<512x1xf32>
    %broadcast_in_dim3A_190 = vector.shape_cast %dot_general3A_189 : vector<512x1xf32> to vector<512x1x1xf32>
    %broadcast_in_dim3A_191 = vector.shape_cast %broadcast_in_dim3A_190 : vector<512x1x1xf32> to vector<512x1x1xf32>
    %broadcast_in_dim3A_192 = vector.broadcast %broadcast_in_dim3A_191 : vector<512x1x1xf32> to vector<512x4x1xf32>
    %reshape3A = vector.shape_cast %broadcast_in_dim3A_192 : vector<512x4x1xf32> to vector<2048x1xf32>
    %reshape3A_193 = vector.shape_cast %dot_general3A_184 : vector<1x512xf32> to vector<4x128xf32>
    %broadcast_in_dim3A_194 = vector.shape_cast %reshape3A_193 : vector<4x128xf32> to vector<1x4x128xf32>
    %broadcast_in_dim3A_195 = vector.shape_cast %broadcast_in_dim3A_194 : vector<1x4x128xf32> to vector<1x4x128xf32>
    %broadcast_in_dim3A_196 = vector.broadcast %broadcast_in_dim3A_195 : vector<1x4x128xf32> to vector<512x4x128xf32>
    %reshape3A_197 = vector.shape_cast %broadcast_in_dim3A_196 : vector<512x4x128xf32> to vector<2048x128xf32>
    %add3A_198 = vector.broadcast %reshape3A : vector<2048x1xf32> to vector<2048x128xf32>
    %add3A_199 = arith.addf %add3A_198, %reshape3A_197 : vector<2048x128xf32>
    %get3A_200 = arith.constant 0 : index
    %get3A_201 = arith.constant 0 : index
    %get3A_202 = vector.load %arg7[%get3A_200, %get3A_201] : memref<1x1xf32, #tpu.memory_space<vmem>>, vector<1x1xf32>
    %add3A_203 = vector.broadcast %get3A_202 : vector<1x1xf32> to vector<2048x128xf32>
    %add3A_204 = arith.addf %add3A_199, %add3A_203 : vector<2048x128xf32>
    %swap3A = arith.constant 0 : index
    %swap3A_205 = arith.constant 0 : index
    %swap3A_206 = vector.load %arg8[%swap3A, %swap3A_205] : memref<2048x128xf32, #tpu.memory_space<vmem>>, vector<2048x128xf32>
    tpu.vector_store %arg8[%swap3A, %swap3A_205], %add3A_204 {strides = array<i32>} : memref<2048x128xf32, #tpu.memory_space<vmem>>, vector<2048x128xf32>,
    return
  }
}

</mosaic_0001>

<sc_bundles>
// kernel: kernel.4.cloned.1.call-start
scs
__scs_entry_jumppad:
0x0: {  	(pc) =	sbr.rel $0x88, $3  }
0x1: {  	(tag) =	ssettag $0x0;
	lr =	simm.s32 $0x1  }
0x2: {  	[smem:$0x3F98] =	sst lr;
	_ =	strace $0xD0000000  }
0x3: {  	_ = 	snop  }
0x4: {  	_ = 	snop  }
0x5: {  	_ = 	snop  }
0x6: {  	_ = 	snop  }
0x7: {  	_ = 	snop  }
__scs_overlays_trampoline_lowered:
0x8: {  	[smem:$0x3FA7] =	sst s0  }
0x9: {  	[smem:$0x3FA8] =	sst s1  }
0xa: {  	[smem:$0x3FA9] =	sst s2  }
0xb: {  	[smem:$0x3FAA] =	sst s3  }
0xc: {  	[smem:$0x3FAB] =	sst s4  }
0xd: {  	[smem:$0x3FAC] =	sst s5  }
0xe: {  	[smem:$0x3FAD] =	sst s6  }
0xf: {  	[smem:$0x3FAE] =	sst s7  }
0x10: {  	[smem:$0x3FAF] =	sst s8  }
0x11: {  	[smem:$0x3FB0] =	sst s9;
	s0 =	simm.s32 @!p0 $0x0  }
0x12: {  	s1 =	sld [smem:$0x3F96];
	s0 =	simm.s32 @p0 $0x1  }
0x13: {  	[smem:$0x3FB1] =	sst s0;
	s0 =	simm.s32 @!p1 $0x0  }
0x14: {  	s2 =	sld [smem:$0x3F95];
	s0 =	simm.s32 @p1 $0x1  }
0x15: {  	[smem:$0x3FB2] =	sst s0;
	s0 =	simm.s32 @!p2 $0x0  }
0x16: {  	s3 =	sld [smem:$0x3FDB];
	s0 =	simm.s32 @p2 $0x1  }
0x17: {  	s4 =	simm.s32 $0x1BF5;
	[smem:$0x3FB4] =	sst s0  }
0x18: {  	s0 =	sld [smem:$0x3F97];
	_ =	swait.ge [sflag:s4], $0x0  }
0x19: {  	s7 =	sld [smem:$0x3F98]  }
0x1a: {  	s8 =	sadd.s32 $0xFFFFE003, lr  }
0x1b: {  	s9 =	sadd.s32 $0xFFFFFEF7, lr;
	s5 =	simm.s32 $0xFFFFFFFF;
	p2 =	slt.u32 s8, $0xFFFFF086  }
0x1c: {  	p1 =	slt.u32 s9, $0xF7A;
	s5 =	simm.s32 @!p2 $0x0  }
0x1d: {  	s5 =	simm.s32 @p1 $0x1;
	p0 =	seq.s32 s7, s2  }
0x1e: {  	s7 =	smul.u32 @!p0 $0xF7A, s2;
	p2 =	seq.s32 @!p0 s5, $0x0  }
0x1f: {  	s9 =	smul.u32 $0xF7A, s1;
	s8 =	simm.s32 @!p0 $0x1BF5;
	p2 =	por !p2, p0  }
0x20: {  	[sflag:s8] =	ssyncset.s32 @!p0 $0xFFFFF086;
	s6 =	sadd.s32 @!p0 s3, s7;
	s7 =	simm.s32 @!p0 $0x108  }
0x21: {  	s3 =	sadd.s32 s3, s9;
	s6 =	sadd.s32 @!p0 $0x88, s6;
	s7 =	simm.s32 @p2 $0x1082  }
0x22: {  	[simem:s7], [sflag:s8] =	dma.local @!p0 [hbm:s6], $0xF7A  }
0x23: {  	s9 =	sor.u32 $0xD0000000, s2;
	s6 =	simm.s32 $0x108;
	_ =	swait.ge @!p0 [sflag:s8], $0x0  }
0x24: {  	s3 =	sadd.s32 $0x88, s3;
	s6 =	simm.s32 @!p1 $0x1082;
	[sflag:s4] =	ssyncset.s32 $0xFFFFF086  }
0x25: {  	[simem:s6], [sflag:s4] =	dma.local [hbm:s3], $0xF7A  }
0x26: {  	[smem:$0x3F98] =	sst s1;
	(tag) =	ssettag s2;
	_ =	strace s9  }
0x27: {  	s1 =	sld [smem:$0x3FA8]  }
0x28: {  	s2 =	sld [smem:$0x3FA9]  }
0x29: {  	s4 =	sld [smem:$0x3FAB]  }
0x2a: {  	p0 =	seq.s32 s5, $0x0;
	s5 =	sld [smem:$0x3FAC]  }
0x2b: {  	s6 =	sld [smem:$0x3FAD]  }
0x2c: {  	s7 =	sld [smem:$0x3FAE]  }
0x2d: {  	s3 =	simm.s32 $0x108;
	s8 =	sld [smem:$0x3FAF]  }
0x2e: {  	s3 =	simm.s32 @!p0 $0x1082;
	s9 =	sld [smem:$0x3FB0]  }
0x2f: {  	lr =	sadd.s32 s0, s3;
	s0 =	sld [smem:$0x3FA7]  }
0x30: {  	s3 =	sld [smem:$0x3FAA]  }
0x31: {  	[smem:$0x3FB3] =	sst s10  }
0x32: {  	s10 =	sld [smem:$0x3FB1];
	_ =	sdelay $0x3  }
0x33: {  	p0 =	seq.s32 s10, $0x1;
	s10 =	sld [smem:$0x3FB3];
	_ =	sdelay $0x3  }
0x34: {  	[smem:$0x3FB3] =	sst s10  }
0x35: {  	s10 =	sld [smem:$0x3FB2];
	_ =	sdelay $0x3  }
0x36: {  	p1 =	seq.s32 s10, $0x1;
	s10 =	sld [smem:$0x3FB3];
	_ =	sdelay $0x3  }
0x37: {  	[smem:$0x3FB3] =	sst s10  }
0x38: {  	s10 =	sld [smem:$0x3FB4]  }
0x39: {  	_ = 	snop;
	(pc) =	sbr.ind lr, $3  }
0x3a: {  	_ = 	snop  }
0x3b: {  	_ = 	snop  }
0x3c: {  	p2 =	seq.s32 s10, $0x1;
	s10 =	sld [smem:$0x3FB3]  }
0x3d: {  	_ =	shalt  }
0x3e: {  	_ =	shalt  }
0x3f: {  	_ =	shalt  }
0x40: {  	_ =	shalt  }
0x41: {  	_ =	shalt  }
0x42: {  	_ =	shalt  }
0x43: {  	_ =	shalt  }
0x44: {  	_ =	shalt  }
0x45: {  	_ =	shalt  }
0x46: {  	_ =	shalt  }
0x47: {  	_ =	shalt  }
0x48: {  	_ =	shalt  }
0x49: {  	_ =	shalt  }
0x4a: {  	_ =	shalt  }
0x4b: {  	_ =	shalt  }
0x4c: {  	_ =	shalt  }
0x4d: {  	_ =	shalt  }
0x4e: {  	_ =	shalt  }
0x4f: {  	_ =	shalt  }
0x50: {  	_ =	shalt  }
0x51: {  	_ =	shalt  }
0x52: {  	_ =	shalt  }
0x53: {  	_ =	shalt  }
0x54: {  	_ =	shalt  }
0x55: {  	_ =	shalt  }
0x56: {  	_ =	shalt  }
0x57: {  	_ =	shalt  }
0x58: {  	_ =	shalt  }
0x59: {  	_ =	shalt  }
0x5a: {  	_ =	shalt  }
0x5b: {  	_ =	shalt  }
0x5c: {  	_ =	shalt  }
0x5d: {  	_ =	shalt  }
0x5e: {  	_ =	shalt  }
0x5f: {  	_ =	shalt  }
0x60: {  	_ =	shalt  }
0x61: {  	_ =	shalt  }
0x62: {  	_ =	shalt  }
0x63: {  	_ =	shalt  }
0x64: {  	_ =	shalt  }
0x65: {  	_ =	shalt  }
0x66: {  	_ =	shalt  }
0x67: {  	_ =	shalt  }
0x68: {  	_ =	shalt  }
0x69: {  	_ =	shalt  }
0x6a: {  	_ =	shalt  }
0x6b: {  	_ =	shalt  }
0x6c: {  	_ =	shalt  }
0x6d: {  	_ =	shalt  }
0x6e: {  	_ =	shalt  }
0x6f: {  	_ =	shalt  }
0x70: {  	_ =	shalt  }
0x71: {  	_ =	shalt  }
0x72: {  	_ =	shalt  }
0x73: {  	_ =	shalt  }
0x74: {  	_ =	shalt  }
0x75: {  	_ =	shalt  }
0x76: {  	_ =	shalt  }
0x77: {  	_ =	shalt  }
0x78: {  	_ =	shalt  }
0x79: {  	_ =	shalt  }
0x7a: {  	_ =	shalt  }
0x7b: {  	_ =	shalt  }
0x7c: {  	_ =	shalt  }
0x7d: {  	_ =	shalt  }
0x7e: {  	_ =	shalt  }
0x7f: {  	_ =	shalt  }
0x80: {  	_ =	shalt  }
0x81: {  	_ =	shalt  }
0x82: {  	_ =	shalt  }
0x83: {  	_ =	shalt  }
0x84: {  	_ =	shalt  }
0x85: {  	_ =	shalt  }
0x86: {  	_ =	shalt  }
0x87: {  	_ =	shalt  }
.Lfunc_end0:
.L_simem_size_0:
called_computation_lowered:
.L_overlay_start_0:
0x88: {  	s2 =	sld [smem:$0x3FD9]  }
0x89: {  	s3 =	sld [smem:$0x3FFE];
	_ =	sdelay $0x1  }
0x8a: {  	s1 =	srdreg.scid  }
0x8b: {  	s0 =	sand.u32 $0x1, s1  }
0x8c: {  	s17 =	sshll.u32 s0, $0xA;
	s2 =	sadd.s32 s3, s2  }
0x8d: {  	s2 =	sadd.s32 s2, s17  }
0x8e: {  	[smem:$0x3FBF] =	sst s2  }
0x8f: {  	_ = 	snop  }
0x90: {  	s2 =	sld [smem:$0x3FC7]  }
0x91: {  	s18 =	sld [smem:$0x3FD0];
	(tm) =	ssettm $0x1  }
0x92: {  	s4 =	sld [smem:$0x3FFB];
	_ =	sdelay $0x3  }
0x93: {  	_ =	strace s4  }
0x94: {  	s4 =	sld [smem:$0x3FFC];
	_ =	sdelay $0x3  }
0x95: {  	_ =	strace s4  }
0x96: {  	s4 =	sld [smem:$0x3FFD];
	_ =	sdelay $0x3  }
0x97: {  	_ =	strace s4  }
0x98: {  	_ =	strace $0x8FFFFFFF  }
0x99: {  	s19 =	sld [smem:$0x3FDB];
	_ =	sdelay $0x1  }
0x9a: {  	s5 =	simm.s32 $_scs_section_size  }
0x9b: {  	s6 =	simm.s32 $_size__tile_overlayer_lowered;
	s7 =	simm.s32 $_tile_overlayer_lowered  }
0x9c: {  	s22 =	simm.s32 $0x1BFF;
	s21 =	sshll.u32 s7, $0x1;
	s4 =	sadd.s32 s5, s19  }
0x9d: {  	s8 =	simm.s32 $0x0;
	s20 =	sshll.u32 s6, $0x1;
	s6 =	sadd.s32 s21, s4  }
0x9e: {  	[timem:s8], [sflag:s22] =	dma.local [hbm:s6], s20  }
0x9f: {  	_ =	swait.ge [sflag:s22], s20  }
0xa0: {  	s5 =	ssub.s32 $0x0, s20;
	[sflag:s22] =	ssyncset.done $0x0  }
0xa1: {  	[sflag:s22] =	ssyncadd.s32 s5;
	_ =	sdelay $0x1  }
0xa2: {  	s23 =	simm.s32 $0x1B8B  }
0xa3: {  	_ =	swait.ge [sflag:s23], $0x1  }
0xa4: {  	[sflag:s23] =	ssyncset.done $0x0  }
0xa5: {  	s25 =	simm.s32 $0x1B8E;
	s24 =	sld [smem:$0x3FFE];
	[sflag:s23] =	ssyncadd.s32 $0xFFFFFFFF  }
0xa6: {  	s26 =	simm.s32 $execute0_lowered;
	[smem:$0x3FD2] =	sst s25  }
0xa7: {  	s6 =	sshll.u32 s26, $0x1;
	_ =	strace $0x80000046;
	[dreg:$0x1] =	wrdreg $0xFFFFFFFF  }
0xa8: {  	s28 =	simm.s32 $_size_execute0_lowered;
	s4 =	sadd.s32 s4, s6;
	[dreg:$0x0] =	wrdreg $0x0  }
0xa9: {  	s6 =	sshll.u32 s28, $0x1;
	[dreg:$0x2] =	wrdreg s4  }
0xaa: {  	[dreg:$0x3] =	wrdreg s6  }
0xab: {  	[dreg:$0x4] =	wrdreg $0xC0  }
0xac: {  	_ =	task [dreg:s8], $0x5FFFF  }
0xad: {  	[dreg:$0x1] =	wrdreg $0xFFFFFFFF  }
0xae: {  	[dreg:$0x0] =	wrdreg $0x60  }
0xaf: {  	[dreg:$0x2] =	wrdreg s24  }
0xb0: {  	[dreg:$0x3] =	wrdreg s2  }
0xb1: {  	[dreg:$0x4] =	wrdreg s18  }
0xb2: {  	[dreg:$0x5] =	wrdreg $0x10000  }
0xb3: {  	[dreg:$0x6] =	wrdreg $0x9  }
0xb4: {  	_ =	task.clear_ibuf [dreg:s8], $0x7FFFF;
	_ =	strace $0x90000046  }
0xb5: {  	s29 =	simm.s32 $0x9;
	_ =	strace $0x80000048  }
0xb6: {  	_ =	swait.ge [sflag:s29], $0x1  }
0xb7: {  	[sflag:s29] =	ssyncadd.s32 $0xFFFFFFFF  }
0xb8: {  	_ =	strace $0x90000048  }
0xb9: {  	_ =	sfence  }
0xba: {  	s30 =	sld [smem:$0x0];
	_ =	sdelay $0x2  }
0xbb: {  	s31 =	sshll.u32 s1, $0xD;
	s1 =	sshrl.u32 s1, $0x2  }
0xbc: {  	s3 =	sand.u32 $0x4000, s31;
	s1 =	sadd.s32 s1, s30  }
0xbd: {  	s0 =	sor.u32 s3, s0;
	s1 =	sshll.u32 s1, $0x11  }
0xbe: {  	s0 =	sor.u32 s1, s0  }
0xbf: {  	s0 =	sadd.s32 $0x8F2B, s0  }
0xc0: {  	[sflag:s0] =	ssyncadd.remote.s32 $0x1  }
0xc1: {  	_ =	sfence.sel $0xFFFF  }
0xc2: {  	[dreg:$0x0] =	wrdreg $0xFFFFFFFF;
	(pc) =	sbr.abs _section_cstart, $3  }
0xc3: {  	[dreg:$0x1] =	wrdreg $0xFFFFFFFF  }
0xc4: {  	_ =	task.clear_ibuf [dreg:s8], $0x2FFFF;
	_ =	strace $0x9FFFFFFF  }
0xc5: {  	(tm) =	ssettm $0x7FFFFFFF  }
tec
execute0_lowered:
.L_overlay_start_1:
0x0: {  	(tag) =	ssettag $0x1  }
0x1: {  	s1 =	srdreg.scid  }
0x2: {  	s1 =	sand.u32 $0x1, s1  }
0x3: {  	s6 =	rddreg [dreg:$0x0];
	p0 =	seq.s32 s1, $0x1  }
.Ltmp0:
0x4: {  	s5 =	rddreg [dreg:$0x1];
	(pc) =	sbr.rel @p0 .LBB2_2-.Ltmp0, $4  }
0x5: {  	s2 =	rddreg [dreg:$0x2]  }
0x6: {  	s7 =	rddreg [dreg:$0x3];
	s8 =	simm.s32 $0x0  }
0x7: {  	[smem:$0x7FF] =	sst s8  }
0x8: {  	s0 =	rddreg [dreg:$0x4];
	_ =	strace $0x80000047;
	s1 =	stileid.u32  }
0x9: {  	s3 =	sshll.u32 s1, $0xE  }
0xa: {  	s9 =	sadd.s32 $0x2000, s6;
	s15 =	sadd.s32 $0x1000, s6;
	s16 =	sshll.u32 s1, $0x8  }
0xb: {  	s17 =	simm.s32 $0x800;
	s4 =	sadd.s32 s3, s7;
	s3 =	sshll.u32 s1, $0x6  }
0xc: {  	s6 =	sadd.s32 s15, s16;
	s10 =	sor.u32 $0x1C01, s3;
	s4 =	sshrl.u32 s4, $0x3  }
0xd: {  	[spmem:s4], [sflag:s10] =	dma.local [hbm:s9], $0x800  }
0xe: {  	[tilespmem:s17], [sflag:$0x1] =	stream.linear.gather [hbm4b:s6+s8], $0x800, $0x38;
	[tilespmem:$0x5000] =	vst v63  }
0xf: {  	s5 =	sadd.s32 s5, s16  }
0x10: {  	[tilespmem:s8], [sflag:$0x1] =	stream.linear.gather [hbm4b:s5+s8], $0x800, $0x38;
	[tilespmem:$0x5000] =	vst v63  }
0x11: {  	s5 =	simm.s32 $0x1  }
0x12: {  	_ =	swait.ge [sflag:s5], $0x800  }
0x13: {  	[sflag:s5] =	ssyncset.done $0x0  }
0x14: {  	[sflag:s5] =	ssyncadd.s32 $0xFFFFF800  }
0x15: {  	_ =	swait.ge [sflag:s5], $0x800  }
0x16: {  	[sflag:s5] =	ssyncset.done $0x0  }
0x17: {  	[sflag:s5] =	ssyncadd.s32 $0xFFFFF800  }
0x18: {  	_ =	swait.ge [sflag:s5], $0x800  }
0x19: {  	[sflag:s5] =	ssyncset.done $0x0  }
0x1a: {  	[sflag:s5] =	ssyncadd.s32 $0xFFFFF800  }
0x1b: {  	s6 =	simm.s32 $0x80;
	[bflag:$0x0] =	sbarrier.arrive $0xFFFF  }
0x1c: {  	[spmem:s7] =	stream.indirect.scatter.add.f32 [tilespmem:s8], [sflag:$0x2], $0x1, s17, s6, $0xb8;
	[tilespmem:$0x5000] =	vst v63  }
0x1d: {  	s18 =	simm.s32 $0x880  }
0x1e: {  	[spmem:s7] =	stream.indirect.scatter.add.f32 [tilespmem:s6], [sflag:$0x2], $0x1, s18, s6, $0xb8;
	[tilespmem:$0x5000] =	vst v63  }
0x1f: {  	s19 =	simm.s32 $0x900;
	s20 =	simm.s32 $0x100  }
0x20: {  	[spmem:s7] =	stream.indirect.scatter.add.f32 [tilespmem:s20], [sflag:$0x2], $0x1, s19, s6, $0xb8;
	[tilespmem:$0x5000] =	vst v63  }
0x21: {  	s21 =	simm.s32 $0x980;
	s22 =	simm.s32 $0x180  }
0x22: {  	[spmem:s7] =	stream.indirect.scatter.add.f32 [tilespmem:s22], [sflag:$0x2], $0x1, s21, s6, $0xb8;
	[tilespmem:$0x5000] =	vst v63  }
0x23: {  	s23 =	simm.s32 $0xA00;
	s24 =	simm.s32 $0x200  }
0x24: {  	[spmem:s7] =	stream.indirect.scatter.add.f32 [tilespmem:s24], [sflag:$0x2], $0x1, s23, s6, $0xb8;
	[tilespmem:$0x5000] =	vst v63  }
0x25: {  	s25 =	simm.s32 $0xA80;
	s26 =	simm.s32 $0x280  }
0x26: {  	[spmem:s7] =	stream.indirect.scatter.add.f32 [tilespmem:s26], [sflag:$0x2], $0x1, s25, s6, $0xb8;
	[tilespmem:$0x5000] =	vst v63  }
0x27: {  	s28 =	simm.s32 $0xB00;
	s29 =	simm.s32 $0x300  }
0x28: {  	[spmem:s7] =	stream.indirect.scatter.add.f32 [tilespmem:s29], [sflag:$0x2], $0x1, s28, s6, $0xb8;
	[tilespmem:$0x5000] =	vst v63  }
0x29: {  	s30 =	simm.s32 $0xB80;
	s31 =	simm.s32 $0x380  }
0x2a: {  	[spmem:s7] =	stream.indirect.scatter.add.f32 [tilespmem:s31], [sflag:$0x2], $0x1, s30, s6, $0xb8;
	[tilespmem:$0x5000] =	vst v63  }
0x2b: {  	s9 =	simm.s32 $0xC00;
	s10 =	simm.s32 $0x400  }
0x2c: {  	[spmem:s7] =	stream.indirect.scatter.add.f32 [tilespmem:s10], [sflag:$0x2], $0x1, s9, s6, $0xb8;
	[tilespmem:$0x5000] =	vst v63  }
0x2d: {  	s11 =	simm.s32 $0xC80;
	s12 =	simm.s32 $0x480  }
0x2e: {  	[spmem:s7] =	stream.indirect.scatter.add.f32 [tilespmem:s12], [sflag:$0x2], $0x1, s11, s6, $0xb8;
	[tilespmem:$0x5000] =	vst v63  }
0x2f: {  	s13 =	simm.s32 $0xD00;
	s14 =	simm.s32 $0x500  }
0x30: {  	[spmem:s7] =	stream.indirect.scatter.add.f32 [tilespmem:s14], [sflag:$0x2], $0x1, s13, s6, $0xb8;
	[tilespmem:$0x5000] =	vst v63  }
0x31: {  	s15 =	simm.s32 $0xD80;
	s16 =	simm.s32 $0x580  }
0x32: {  	[spmem:s7] =	stream.indirect.scatter.add.f32 [tilespmem:s16], [sflag:$0x2], $0x1, s15, s6, $0xb8;
	[tilespmem:$0x5000] =	vst v63  }
0x33: {  	s17 =	simm.s32 $0xE00;
	s18 =	simm.s32 $0x600  }
0x34: {  	[spmem:s7] =	stream.indirect.scatter.add.f32 [tilespmem:s18], [sflag:$0x2], $0x1, s17, s6, $0xb8;
	[tilespmem:$0x5000] =	vst v63  }
0x35: {  	s19 =	simm.s32 $0xE80;
	s20 =	simm.s32 $0x680  }
0x36: {  	[spmem:s7] =	stream.indirect.scatter.add.f32 [tilespmem:s20], [sflag:$0x2], $0x1, s19, s6, $0xb8;
	[tilespmem:$0x5000] =	vst v63  }
0x37: {  	s21 =	simm.s32 $0xF00;
	s22 =	simm.s32 $0x700  }
0x38: {  	[spmem:s7] =	stream.indirect.scatter.add.f32 [tilespmem:s22], [sflag:$0x2], $0x1, s21, s6, $0xb8;
	[tilespmem:$0x5000] =	vst v63  }
0x39: {  	s23 =	simm.s32 $0xF80;
	s24 =	simm.s32 $0x780;
	s25 =	simm.s32 $0x2  }
0x3a: {  	[spmem:s7] =	stream.indirect.scatter.add.f32 [tilespmem:s24], [sflag:$0x2], $0x1, s23, s6, $0xb8;
	[tilespmem:$0x5000] =	vst v63  }
0x3b: {  	_ =	swait.ge [sflag:s25], $0x80  }
0x3c: {  	[sflag:s25] =	ssyncset.done $0x0  }
0x3d: {  	[sflag:s25] =	ssyncadd.s32 $0xFFFFFF80  }
0x3e: {  	_ =	swait.ge [sflag:s25], $0x80  }
0x3f: {  	[sflag:s25] =	ssyncset.done $0x0  }
0x40: {  	[sflag:s25] =	ssyncadd.s32 $0xFFFFFF80  }
0x41: {  	_ =	swait.ge [sflag:s25], $0x80  }
0x42: {  	[sflag:s25] =	ssyncset.done $0x0  }
0x43: {  	[sflag:s25] =	ssyncadd.s32 $0xFFFFFF80  }
0x44: {  	_ =	swait.ge [sflag:s25], $0x80  }
0x45: {  	[sflag:s25] =	ssyncset.done $0x0  }
0x46: {  	[sflag:s25] =	ssyncadd.s32 $0xFFFFFF80  }
0x47: {  	_ =	swait.ge [sflag:s25], $0x80  }
0x48: {  	[sflag:s25] =	ssyncset.done $0x0  }
0x49: {  	[sflag:s25] =	ssyncadd.s32 $0xFFFFFF80  }
0x4a: {  	_ =	swait.ge [sflag:s25], $0x80  }
0x4b: {  	[sflag:s25] =	ssyncset.done $0x0  }
0x4c: {  	[sflag:s25] =	ssyncadd.s32 $0xFFFFFF80  }
0x4d: {  	_ =	swait.ge [sflag:s25], $0x80  }
0x4e: {  	[sflag:s25] =	ssyncset.done $0x0  }
0x4f: {  	[sflag:s25] =	ssyncadd.s32 $0xFFFFFF80  }
0x50: {  	_ =	swait.ge [sflag:s25], $0x80  }
0x51: {  	[sflag:s25] =	ssyncset.done $0x0  }
0x52: {  	[sflag:s25] =	ssyncadd.s32 $0xFFFFFF80  }
0x53: {  	_ =	swait.ge [sflag:s25], $0x80  }
0x54: {  	[sflag:s25] =	ssyncset.done $0x0  }
0x55: {  	[sflag:s25] =	ssyncadd.s32 $0xFFFFFF80  }
0x56: {  	_ =	swait.ge [sflag:s25], $0x80  }
0x57: {  	[sflag:s25] =	ssyncset.done $0x0  }
0x58: {  	[sflag:s25] =	ssyncadd.s32 $0xFFFFFF80  }
0x59: {  	_ =	swait.ge [sflag:s25], $0x80  }
0x5a: {  	[sflag:s25] =	ssyncset.done $0x0  }
0x5b: {  	[sflag:s25] =	ssyncadd.s32 $0xFFFFFF80  }
0x5c: {  	_ =	swait.ge [sflag:s25], $0x80  }
0x5d: {  	[sflag:s25] =	ssyncset.done $0x0  }
0x5e: {  	[sflag:s25] =	ssyncadd.s32 $0xFFFFFF80  }
0x5f: {  	_ =	swait.ge [sflag:s25], $0x80  }
0x60: {  	[sflag:s25] =	ssyncset.done $0x0  }
0x61: {  	[sflag:s25] =	ssyncadd.s32 $0xFFFFFF80  }
0x62: {  	_ =	swait.ge [sflag:s25], $0x80  }
0x63: {  	[sflag:s25] =	ssyncset.done $0x0  }
0x64: {  	[sflag:s25] =	ssyncadd.s32 $0xFFFFFF80  }
0x65: {  	_ =	swait.ge [sflag:s25], $0x80  }
0x66: {  	[sflag:s25] =	ssyncset.done $0x0  }
0x67: {  	s26 =	sshll.u32 s1, $0x4;
	[sflag:s25] =	ssyncadd.s32 $0xFFFFFF80  }
0x68: {  	s8 =	sand.u32 $0x70, s26;
	s28 =	sshll.u32 s1, $0xB;
	_ =	swait.ge [sflag:s25], $0x80  }
0x69: {  	s2 =	sadd.s32 s2, s8;
	s29 =	sand.u32 $0x4000, s28;
	[sflag:s25] =	ssyncset.done $0x0  }
0x6a: {  	s3 =	sor.u32 $0x1C03, s3;
	s2 =	sadd.s32 s29, s2;
	[sflag:s25] =	ssyncadd.s32 $0xFFFFFF80  }
0x6b: {  	s30 =	simm.s32 $0x10;
	s31 =	simm.s32 $0x3;
	[bflag:$0x0] =	sbarrier.arrive $0xFFFF  }
0x6c: {  	[hbm:s2@s6], [sflag:s3] =	dma.strided [spmem:s4@s30], $0x800, s5, $0x10   }
0x6d: {  	_ =	swait.ge [sflag:s31], $0x800  }
0x6e: {  	[sflag:s31] =	ssyncset.done $0x0  }
0x6f: {  	[sflag:s31] =	ssyncadd.s32 $0xFFFFF800  }
.LBB2_2:
0x70: {  	_ =	sfence.sel $0x180000  }
0x71: {  	[bflag:$0x0] =	sbarrier.arrive $0xFFFF  }
0x72: {  	p0 =	sne.s32 s1, $0x0;
	_ =	strace $0x90000047  }
0x73: {  	s0 =	sadd.s32 @!p0 $0x100000, s0;
	[bflag:$0x2] =	sbarrier.arrive $0xFFFF  }
0x74: {  	[sflag:s0] =	ssyncadd.tile.s32 @!p0 $0x1;
	_ =	shalt  }
.Lfunc_end2:
_tile_overlayer_lowered:
.L_overlay_start_2:
0x75: {  	(tag) =	ssettag $0x2  }
0x76: {  	s0 =	rddreg [dreg:$0x0];
	s2 =	stileid.u32  }
0x77: {  	s1 =	rddreg [dreg:$0x1];
	p0 =	sne.s32 s2, $0x0  }
0x78: {  	s3 =	rddreg [dreg:$0x2];
	[bflag:$0x3] =	sbarrier.arrive $0xFFFF;
	s2 =	simm.s32 @!p0 $0x1C03  }
0x79: {  	[timem:s3], [sflag:s2] =	dma.local @!p0 [hbm:s0], s1  }
0x7a: {  	s0 =	simm.s32 @!p0 $0x3  }
0x7b: {  	_ =	swait.ge @!p0 [sflag:s0], s1  }
0x7c: {  	s1 =	ssub.s32 @!p0 $0x0, s1;
	[sflag:s0] =	ssyncset.done @!p0 $0x0  }
0x7d: {  	[sflag:s0] =	ssyncadd.s32 @!p0 s1  }
0x7e: {  	[bflag:$0x3] =	sbarrier.arrive $0xFFFF  }
0x7f: {  	_ =	shalt  }

</sc_bundles>
